<compile_context>
chip_gen: v7x
topology: tpu7x:2x2x1
jax: 0.10.2.dev20260603
libtpu: 0.0.44.dev20260713+nightly
codegen_flags: <defaults>
</compile_context>

<pallas_src>
import functools

import jax
import jax.numpy as jnp
from jax import lax
from jax.experimental import pallas as pl
from jax.experimental.pallas import tpu as pltpu
from jax.experimental.pallas import tpu_sc as plsc

_NC = 2
_NS = 16
_NW = _NC * _NS


def _router_body(cap, nslot, x_ref, rw_ref, logits_ref, scaled_ref,
                 sidx_ref, gidx_ref, fei_ref, carry_ref):
    i = pl.program_id(0)

    @pl.when(i == 0)
    def _():
        carry_ref[...] = jnp.zeros_like(carry_ref)

    x = x_ref[0]
    c_rows, e = logits_ref.shape
    logits = lax.dot_general(x, rw_ref[...], (((1,), (1,)), ((), ())),
                             preferred_element_type=jnp.float32)
    logits_ref[...] = logits
    m = jnp.max(logits, axis=1, keepdims=True)
    lane = lax.broadcasted_iota(jnp.int32, (c_rows, e), 1)
    eidx = jnp.min(jnp.where(logits == m, lane, e), axis=1, keepdims=True)
    p = 1.0 / jnp.sum(jnp.exp(logits - m), axis=1, keepdims=True)
    onehot = (lane == eidx).astype(jnp.float32)
    r_i = lax.broadcasted_iota(jnp.int32, (c_rows, c_rows), 0)
    c_i = lax.broadcasted_iota(jnp.int32, (c_rows, c_rows), 1)
    tril = (r_i >= c_i).astype(jnp.float32)
    prio = jnp.dot(tril, onehot, preferred_element_type=jnp.float32)
    prio = prio + carry_ref[0:1, :]
    carry_ref[0:1, :] += jnp.sum(onehot, axis=0, keepdims=True)
    prio_t = jnp.sum(onehot * prio, axis=1, keepdims=True)
    kept = prio_t <= float(cap)
    tok = i * c_rows + lax.broadcasted_iota(jnp.int32, (c_rows, 1), 0)
    slot = eidx * cap + prio_t.astype(jnp.int32) - 1
    sidx_c = jnp.where(kept, slot, 2 * nslot + tok).astype(jnp.float32)
    gidx_c = jnp.where(kept, nslot + slot, 2 * nslot + tok).astype(jnp.float32)
    fei_c = jnp.where(kept, eidx, 0).astype(jnp.float32)
    cols = jnp.concatenate([sidx_c, gidx_c, fei_c], axis=1)
    eye = (r_i == c_i).astype(jnp.float32)
    colsT = lax.dot_general(cols, eye, (((0,), (0,)), ((), ())),
                            precision=lax.Precision.HIGHEST,
                            preferred_element_type=jnp.float32)
    sidx_ref[pl.ds(i * c_rows, c_rows)] = colsT[0].astype(jnp.int32)
    gidx_ref[pl.ds(i * c_rows, c_rows)] = colsT[1].astype(jnp.int32)
    fei_ref[pl.ds(i * c_rows, c_rows)] = colsT[2].astype(jnp.int32)
    scaled_ref[...] = x * p


def _ffn_body(nblk, x_ref, wi_ref, wo_ref, y_ref):
    h = jnp.maximum(
        jnp.dot(x_ref[...], wi_ref[0], preferred_element_type=jnp.float32),
        0.0)
    y_ref[...] = jnp.dot(h, wo_ref[0], preferred_element_type=jnp.float32)


def kernel(hidden_states, router_w, wi, wo):
    b, s, d = hidden_states.shape
    e = router_w.shape[1]
    d_ff = wi.shape[2]
    cap = 40
    nslot = e * cap
    n_tok = b * s
    nrow = 2 * nslot + n_tok
    chunk = 512
    n_chunks = n_tok // chunk
    tpw = n_tok // _NW

    logits, scaled, sidx, gidx, fei = pl.pallas_call(
        functools.partial(_router_body, cap, nslot),
        grid=(n_chunks,),
        in_specs=[
            pl.BlockSpec((1, chunk, d), lambda i: (0, i, 0)),
            pl.BlockSpec((e, d), lambda i: (0, 0)),
        ],
        out_specs=[
            pl.BlockSpec((chunk, e), lambda i: (i, 0)),
            pl.BlockSpec((chunk, d), lambda i: (i, 0)),
            pl.BlockSpec((n_tok,), lambda i: (0,)),
            pl.BlockSpec((n_tok,), lambda i: (0,)),
            pl.BlockSpec((n_tok,), lambda i: (0,)),
        ],
        out_shape=[
            jax.ShapeDtypeStruct((n_tok, e), jnp.float32),
            jax.ShapeDtypeStruct((n_tok, d), jnp.float32),
            jax.ShapeDtypeStruct((n_tok,), jnp.int32),
            jax.ShapeDtypeStruct((n_tok,), jnp.int32),
            jax.ShapeDtypeStruct((n_tok,), jnp.int32),
        ],
        scratch_shapes=[pltpu.VMEM((8, e), jnp.float32)],
    )(hidden_states, router_w.T)

    sidx_flat = sidx
    gidx_flat = gidx

    mesh = plsc.VectorSubcoreMesh(core_axis_name="c", subcore_axis_name="s")

    @functools.partial(
        pl.kernel,
        out_type=jax.ShapeDtypeStruct((nrow, d), jnp.float32),
        mesh=mesh,
        scratch_types=[
            pltpu.VMEM((tpw, d), jnp.float32),
            pltpu.VMEM((tpw,), jnp.int32),
            pltpu.SemaphoreType.DMA,
        ],
    )
    def sc_scatter(scaled_hbm, sidx_hbm, buf_hbm, rows_v, idx_v, sem):
        wid = lax.axis_index("s") * _NC + lax.axis_index("c")
        base = wid * tpw
        pltpu.sync_copy(scaled_hbm.at[pl.ds(base, tpw)], rows_v)
        pltpu.sync_copy(sidx_hbm.at[pl.ds(base, tpw)], idx_v)
        pltpu.async_copy(rows_v, buf_hbm.at[idx_v], sem).wait()

    buf = sc_scatter(scaled, sidx_flat)

    nblk = nrow // cap
    buf = pl.pallas_call(
        functools.partial(_ffn_body, nblk),
        grid=(e,),
        in_specs=[
            pl.BlockSpec((cap, d), lambda i: (i, 0)),
            pl.BlockSpec((1, d, d_ff), lambda i: (i, 0, 0)),
            pl.BlockSpec((1, d_ff, d), lambda i: (i, 0, 0)),
        ],
        out_specs=pl.BlockSpec((cap, d), lambda i: (e + i, 0)),
        out_shape=jax.ShapeDtypeStruct((nrow, d), jnp.float32),
        input_output_aliases={0: 0},
    )(buf, wi, wo)

    @functools.partial(
        pl.kernel,
        out_type=jax.ShapeDtypeStruct((n_tok, d), jnp.float32),
        mesh=mesh,
        scratch_types=[
            pltpu.VMEM((tpw, d), jnp.float32),
            pltpu.VMEM((tpw,), jnp.int32),
            pltpu.SemaphoreType.DMA,
        ],
    )
    def sc_gather(buf_hbm, gidx_hbm, out_hbm, rows_v, idx_v, sem):
        wid = lax.axis_index("s") * _NC + lax.axis_index("c")
        base = wid * tpw
        pltpu.sync_copy(gidx_hbm.at[pl.ds(base, tpw)], idx_v)
        pltpu.async_copy(buf_hbm.at[idx_v], rows_v, sem).wait()
        pltpu.sync_copy(rows_v, out_hbm.at[pl.ds(base, tpw)])

    out_flat = sc_gather(buf, gidx_flat)

    out = out_flat.reshape(b, s, d)
    router_logits = logits.reshape(b, s, e)
    final_expert_index = fei.reshape(b, s)
    return out, router_logits, final_expert_index

# --- scband reference (transcript-rebuilt; emitter-appended) ---
"""Pipeline reference for scband-switch-transformers-sparse-mlp-69965017252081 (READ-ONLY COPY).

The authoritative reference and input builder live on the scoring server;
editing this copy changes nothing except your own understanding.
"""

import jax, jax.numpy as jnp
import numpy as np

B, S, D = 1, 2048, 768
E = 64
D_FF = 2048
EXPERT_CAPACITY = 40


def setup_inputs(seed: int = 0):
    key = jax.random.key(seed)
    k1, k2, k3, k4 = jax.random.split(key, 4)
    hidden_states = jax.random.normal(k1, (B, S, D), dtype=jnp.float32)
    router_w = jax.random.normal(k2, (D, E), dtype=jnp.float32) * 0.02
    wi = jax.random.normal(k3, (E, D, D_FF), dtype=jnp.float32) * 0.02
    wo = jax.random.normal(k4, (E, D_FF, D), dtype=jnp.float32) * 0.02
    return {"hidden_states": hidden_states, "router_w": router_w, "wi": wi, "wo": wo}


def reference(hidden_states, router_w, wi, wo):
    # ---- SwitchTransformersTop1Router (eval mode, jitter_noise=0) ----
    x32 = hidden_states.astype(jnp.float32)
    router_logits = x32 @ router_w                               # [B, S, E]
    probs = jax.nn.softmax(router_logits, axis=-1)               # router dtype float32
    expert_index = jnp.argmax(probs, axis=-1)                    # [B, S]
    one_hot = jax.nn.one_hot(expert_index, E, dtype=jnp.int32)   # [B, S, E]
    # capacity masking: cumulative priority along the sequence dim
    token_priority = jnp.cumsum(one_hot, axis=-2)
    capacity_mask = (token_priority <= EXPERT_CAPACITY).astype(jnp.int32)
    router_mask = one_hot * capacity_mask                        # [B, S, E]
    router_probs = jnp.max(probs, axis=-1, keepdims=True).astype(hidden_states.dtype)  # [B, S, 1]

    # ---- Dispatch tokens to experts (SwitchTransformersDenseActDense: wi -> relu -> wo) ----
    flat = hidden_states.reshape(-1, D)
    mask_flat = router_mask.reshape(-1, E)
    def body(idx, next_flat):
        out = jnp.maximum(flat @ wi[idx], 0.0) @ wo[idx]
        sel = mask_flat[:, idx][:, None] > 0
        return jnp.where(sel, out.astype(flat.dtype), next_flat)
    next_flat = jax.lax.fori_loop(0, wi.shape[0], body, flat)
    next_states = next_flat.reshape(B, S, D)
    out = router_probs * next_states
    final_expert_index = jnp.argmax(router_mask, axis=-1)
    return out, router_logits, final_expert_index

if __name__ == "__main__":
    import jax
    _d = setup_inputs()
    print(jax.jit(kernel)(*tuple(_d.values())))

</pallas_src>

<mosaic_0001>
#map = affine_map<(d0, d1) -> (0, 0)>
#map1 = affine_map<(d0, d1) -> (0)>
module attributes {stable_mosaic.version = 14 : i64} {
  func.func @sc_scatter(%arg0: i32, %arg1: i32, %arg2: memref<2048x768xf32, #tpu.memory_space<hbm>>, %arg3: memref<2048xi32, #tpu.memory_space<hbm>>, %arg4: memref<7168x768xf32, #tpu.memory_space<hbm>>, %arg5: memref<64x768xf32, #tpu.memory_space<vmem>>, %arg6: memref<64xi32, #tpu.memory_space<vmem>>, %arg7: memref<!tpu.dma_semaphore, #tpu.memory_space<semaphore_mem>>) attributes {dimension_semantics = [#tpu.dimension_semantics<core_parallel>, #tpu.dimension_semantics<subcore_parallel>], iteration_bounds = array<i64: 2, 16>, scalar_prefetch = 0 : i64, scratch_operands = 3 : i64, tpu.core_type = #tpu.core_type<sc_vector_subcore>, window_params = [{transform_indices = #map}, {transform_indices = #map1}, {transform_indices = #map}]} {
    %mul3A = arith.constant 2 : i32
    %mul3A_0 = arith.muli %arg1, %mul3A : i32
    %add3A = arith.addi %mul3A_0, %arg0 : i32
    %mul3A_1 = arith.constant 64 : i32
    %mul3A_2 = arith.muli %add3A, %mul3A_1 : i32
    "tpu.region"() ({
      %run_scoped3A = tpu.sem_alloc : memref<!tpu.dma_semaphore, #tpu.memory_space<semaphore_mem>>
      %dma_start3A_7 = arith.constant 0 : i32
      %dma_start3A_8 = tpu.memref_slice %arg2[%mul3A_2, %dma_start3A_7] : memref<2048x768xf32, #tpu.memory_space<hbm>> -> memref<64x768xf32, #tpu.memory_space<hbm>>
      %dma_start3A_9 = arith.constant 0 : i32
      %dma_start3A_10 = tpu.memref_slice %arg2[%mul3A_2, %dma_start3A_9] : memref<2048x768xf32, #tpu.memory_space<hbm>> -> memref<64x768xf32, #tpu.memory_space<hbm>>
      tpu.enqueue_dma source(%dma_start3A_10 : memref<64x768xf32, #tpu.memory_space<hbm>>) target(%arg5 : memref<64x768xf32, #tpu.memory_space<vmem>>) target_semaphore(%run_scoped3A : memref<!tpu.dma_semaphore, #tpu.memory_space<semaphore_mem>>)
      %dma_wait3A_11 = arith.constant 0 : i32
      %dma_wait3A_12 = tpu.memref_slice %arg2[%mul3A_2, %dma_wait3A_11] : memref<2048x768xf32, #tpu.memory_space<hbm>> -> memref<64x768xf32, #tpu.memory_space<hbm>>
      %dma_wait3A_13 = arith.constant 0 : i32
      %dma_wait3A_14 = tpu.memref_slice %arg2[%mul3A_2, %dma_wait3A_13] : memref<2048x768xf32, #tpu.memory_space<hbm>> -> memref<64x768xf32, #tpu.memory_space<hbm>>
      tpu.wait_dma2 semaphore(%run_scoped3A : memref<!tpu.dma_semaphore, #tpu.memory_space<semaphore_mem>>) src(%dma_wait3A_14 : memref<64x768xf32, #tpu.memory_space<hbm>>) dst(%arg5 : memref<64x768xf32, #tpu.memory_space<vmem>>)
      tpu.yield
    }) : () -> ()
    "tpu.region"() ({
      %run_scoped3A = tpu.sem_alloc : memref<!tpu.dma_semaphore, #tpu.memory_space<semaphore_mem>>
      %dma_start3A_7 = tpu.memref_slice %arg3[%mul3A_2] : memref<2048xi32, #tpu.memory_space<hbm>> -> memref<64xi32, #tpu.memory_space<hbm>>
      %dma_start3A_8 = tpu.memref_slice %arg3[%mul3A_2] : memref<2048xi32, #tpu.memory_space<hbm>> -> memref<64xi32, #tpu.memory_space<hbm>>
      tpu.enqueue_dma source(%dma_start3A_8 : memref<64xi32, #tpu.memory_space<hbm>>) target(%arg6 : memref<64xi32, #tpu.memory_space<vmem>>) target_semaphore(%run_scoped3A : memref<!tpu.dma_semaphore, #tpu.memory_space<semaphore_mem>>)
      %dma_wait3A_9 = tpu.memref_slice %arg3[%mul3A_2] : memref<2048xi32, #tpu.memory_space<hbm>> -> memref<64xi32, #tpu.memory_space<hbm>>
      %dma_wait3A_10 = tpu.memref_slice %arg3[%mul3A_2] : memref<2048xi32, #tpu.memory_space<hbm>> -> memref<64xi32, #tpu.memory_space<hbm>>
      tpu.wait_dma2 semaphore(%run_scoped3A : memref<!tpu.dma_semaphore, #tpu.memory_space<semaphore_mem>>) src(%dma_wait3A_10 : memref<64xi32, #tpu.memory_space<hbm>>) dst(%arg6 : memref<64xi32, #tpu.memory_space<vmem>>)
      tpu.yield
    }) : () -> ()
    %dma_start3A = arith.constant 0 : i32
    %dma_start3A_3 = arith.constant 0 : i32
    %dma_start3A_4 = tpu.memref_slice %arg4[%dma_start3A, %dma_start3A_3] : memref<7168x768xf32, #tpu.memory_space<hbm>> -> memref<7168x768xf32, #tpu.memory_space<hbm>>
    tpu.enqueue_indirect_dma source(%arg5 : memref<64x768xf32, #tpu.memory_space<vmem>>) target(%dma_start3A_4 : memref<7168x768xf32, #tpu.memory_space<hbm>>) offsets(%arg6 : memref<64xi32, #tpu.memory_space<vmem>>) semaphore(%arg7 : memref<!tpu.dma_semaphore, #tpu.memory_space<semaphore_mem>>)
    %dma_wait3A = arith.constant 0 : i32
    %dma_wait3A_5 = arith.constant 0 : i32
    %dma_wait3A_6 = tpu.memref_slice %arg4[%dma_wait3A, %dma_wait3A_5] : memref<7168x768xf32, #tpu.memory_space<hbm>> -> memref<7168x768xf32, #tpu.memory_space<hbm>>
    tpu.wait_indirect_dma semaphore(%arg7 : memref<!tpu.dma_semaphore, #tpu.memory_space<semaphore_mem>>) src(%arg5 : memref<64x768xf32, #tpu.memory_space<vmem>>) dst(%dma_wait3A_6 : memref<7168x768xf32, #tpu.memory_space<hbm>>)
    return
  }
}

#map = affine_map<(d0, d1) -> (0, 0)>
#map1 = affine_map<(d0, d1) -> (0)>
module attributes {stable_mosaic.version = 14 : i64} {
  func.func @sc_gather(%arg0: i32, %arg1: i32, %arg2: memref<7168x768xf32, #tpu.memory_space<hbm>>, %arg3: memref<2048xi32, #tpu.memory_space<hbm>>, %arg4: memref<2048x768xf32, #tpu.memory_space<hbm>>, %arg5: memref<64x768xf32, #tpu.memory_space<vmem>>, %arg6: memref<64xi32, #tpu.memory_space<vmem>>, %arg7: memref<!tpu.dma_semaphore, #tpu.memory_space<semaphore_mem>>) attributes {dimension_semantics = [#tpu.dimension_semantics<core_parallel>, #tpu.dimension_semantics<subcore_parallel>], iteration_bounds = array<i64: 2, 16>, scalar_prefetch = 0 : i64, scratch_operands = 3 : i64, tpu.core_type = #tpu.core_type<sc_vector_subcore>, window_params = [{transform_indices = #map}, {transform_indices = #map1}, {transform_indices = #map}]} {
    %mul3A = arith.constant 2 : i32
    %mul3A_0 = arith.muli %arg1, %mul3A : i32
    %add3A = arith.addi %mul3A_0, %arg0 : i32
    %mul3A_1 = arith.constant 64 : i32
    %mul3A_2 = arith.muli %add3A, %mul3A_1 : i32
    "tpu.region"() ({
      %run_scoped3A = tpu.sem_alloc : memref<!tpu.dma_semaphore, #tpu.memory_space<semaphore_mem>>
      %dma_start3A_7 = tpu.memref_slice %arg3[%mul3A_2] : memref<2048xi32, #tpu.memory_space<hbm>> -> memref<64xi32, #tpu.memory_space<hbm>>
      %dma_start3A_8 = tpu.memref_slice %arg3[%mul3A_2] : memref<2048xi32, #tpu.memory_space<hbm>> -> memref<64xi32, #tpu.memory_space<hbm>>
      tpu.enqueue_dma source(%dma_start3A_8 : memref<64xi32, #tpu.memory_space<hbm>>) target(%arg6 : memref<64xi32, #tpu.memory_space<vmem>>) target_semaphore(%run_scoped3A : memref<!tpu.dma_semaphore, #tpu.memory_space<semaphore_mem>>)
      %dma_wait3A_9 = tpu.memref_slice %arg3[%mul3A_2] : memref<2048xi32, #tpu.memory_space<hbm>> -> memref<64xi32, #tpu.memory_space<hbm>>
      %dma_wait3A_10 = tpu.memref_slice %arg3[%mul3A_2] : memref<2048xi32, #tpu.memory_space<hbm>> -> memref<64xi32, #tpu.memory_space<hbm>>
      tpu.wait_dma2 semaphore(%run_scoped3A : memref<!tpu.dma_semaphore, #tpu.memory_space<semaphore_mem>>) src(%dma_wait3A_10 : memref<64xi32, #tpu.memory_space<hbm>>) dst(%arg6 : memref<64xi32, #tpu.memory_space<vmem>>)
      tpu.yield
    }) : () -> ()
    %dma_start3A = arith.constant 0 : i32
    %dma_start3A_3 = arith.constant 0 : i32
    %dma_start3A_4 = tpu.memref_slice %arg2[%dma_start3A, %dma_start3A_3] : memref<7168x768xf32, #tpu.memory_space<hbm>> -> memref<7168x768xf32, #tpu.memory_space<hbm>>
    tpu.enqueue_indirect_dma source(%dma_start3A_4 : memref<7168x768xf32, #tpu.memory_space<hbm>>) target(%arg5 : memref<64x768xf32, #tpu.memory_space<vmem>>) offsets(%arg6 : memref<64xi32, #tpu.memory_space<vmem>>) semaphore(%arg7 : memref<!tpu.dma_semaphore, #tpu.memory_space<semaphore_mem>>)
    %dma_wait3A = arith.constant 0 : i32
    %dma_wait3A_5 = arith.constant 0 : i32
    %dma_wait3A_6 = tpu.memref_slice %arg2[%dma_wait3A, %dma_wait3A_5] : memref<7168x768xf32, #tpu.memory_space<hbm>> -> memref<7168x768xf32, #tpu.memory_space<hbm>>
    tpu.wait_indirect_dma semaphore(%arg7 : memref<!tpu.dma_semaphore, #tpu.memory_space<semaphore_mem>>) src(%dma_wait3A_6 : memref<7168x768xf32, #tpu.memory_space<hbm>>) dst(%arg5 : memref<64x768xf32, #tpu.memory_space<vmem>>)
    "tpu.region"() ({
      %run_scoped3A = tpu.sem_alloc : memref<!tpu.dma_semaphore, #tpu.memory_space<semaphore_mem>>
      %dma_start3A_7 = arith.constant 0 : i32
      %dma_start3A_8 = tpu.memref_slice %arg4[%mul3A_2, %dma_start3A_7] : memref<2048x768xf32, #tpu.memory_space<hbm>> -> memref<64x768xf32, #tpu.memory_space<hbm>>
      %dma_start3A_9 = arith.constant 0 : i32
      %dma_start3A_10 = tpu.memref_slice %arg4[%mul3A_2, %dma_start3A_9] : memref<2048x768xf32, #tpu.memory_space<hbm>> -> memref<64x768xf32, #tpu.memory_space<hbm>>
      tpu.enqueue_dma source(%arg5 : memref<64x768xf32, #tpu.memory_space<vmem>>) target(%dma_start3A_10 : memref<64x768xf32, #tpu.memory_space<hbm>>) target_semaphore(%run_scoped3A : memref<!tpu.dma_semaphore, #tpu.memory_space<semaphore_mem>>)
      %dma_wait3A_11 = arith.constant 0 : i32
      %dma_wait3A_12 = tpu.memref_slice %arg4[%mul3A_2, %dma_wait3A_11] : memref<2048x768xf32, #tpu.memory_space<hbm>> -> memref<64x768xf32, #tpu.memory_space<hbm>>
      %dma_wait3A_13 = arith.constant 0 : i32
      %dma_wait3A_14 = tpu.memref_slice %arg4[%mul3A_2, %dma_wait3A_13] : memref<2048x768xf32, #tpu.memory_space<hbm>> -> memref<64x768xf32, #tpu.memory_space<hbm>>
      tpu.wait_dma2 semaphore(%run_scoped3A : memref<!tpu.dma_semaphore, #tpu.memory_space<semaphore_mem>>) src(%arg5 : memref<64x768xf32, #tpu.memory_space<vmem>>) dst(%dma_wait3A_14 : memref<64x768xf32, #tpu.memory_space<hbm>>)
      tpu.yield
    }) : () -> ()
    return
  }
}

module attributes {stable_mosaic.version = 14 : i64} {
  func.func @_ffn_body(%arg0: i32, %arg1: memref<40x768xf32, #tpu.memory_space<vmem>>, %arg2: memref<1x768x2048xf32, #tpu.memory_space<vmem>>, %arg3: memref<1x2048x768xf32, #tpu.memory_space<vmem>>, %arg4: memref<40x768xf32, #tpu.memory_space<vmem>>) attributes {dimension_semantics = [#tpu.dimension_semantics<arbitrary>], iteration_bounds = array<i64: 64>, scalar_prefetch = 0 : i64, scratch_operands = 0 : i64, tpu.core_type = #tpu.core_type<tc>, window_params = [{transform_indices = @transform_0, window_bounds = array<i64: 40, 768>}, {transform_indices = @transform_1, window_bounds = array<i64: 1, 768, 2048>}, {transform_indices = @transform_2, window_bounds = array<i64: 1, 2048, 768>}, {transform_indices = @transform_3, window_bounds = array<i64: 40, 768>}]} {
    %get3A = arith.constant 0 : index
    %get3A_0 = arith.constant 0 : index
    %get3A_1 = vector.load %arg1[%get3A, %get3A_0] : memref<40x768xf32, #tpu.memory_space<vmem>>, vector<40x768xf32>
    %get3A_2 = arith.constant 0 : index
    %get3A_3 = arith.constant 0 : index
    %get3A_4 = arith.constant 0 : index
    %get3A_5 = vector.load %arg2[%get3A_2, %get3A_3, %get3A_4] : memref<1x768x2048xf32, #tpu.memory_space<vmem>>, vector<1x768x2048xf32>
    %get3A_6 = vector.shape_cast %get3A_5 : vector<1x768x2048xf32> to vector<768x2048xf32>
    %dot_general3A = arith.constant dense<0.000000e+00> : vector<40x2048xf32>
    %dot_general3A_7 = tpu.matmul %get3A_1, %get3A_6, %dot_general3A {dimension_numbers = #tpu.dot_dimension_numbers<[1], [0], [0], [1], [0, 0, 1, 1], [], []>, transpose_lhs_hint = false} : vector<40x768xf32>, vector<768x2048xf32>, vector<40x2048xf32> -> vector<40x2048xf32>
    %max3A = arith.constant 0.000000e+00 : f32
    %max3A_8 = vector.broadcast %max3A : f32 to vector<40x2048xf32>
    %max3A_9 = arith.maximumf %dot_general3A_7, %max3A_8 : vector<40x2048xf32>
    %get3A_10 = arith.constant 0 : index
    %get3A_11 = arith.constant 0 : index
    %get3A_12 = arith.constant 0 : index
    %get3A_13 = vector.load %arg3[%get3A_10, %get3A_11, %get3A_12] : memref<1x2048x768xf32, #tpu.memory_space<vmem>>, vector<1x2048x768xf32>
    %get3A_14 = vector.shape_cast %get3A_13 : vector<1x2048x768xf32> to vector<2048x768xf32>
    %dot_general3A_15 = arith.constant dense<0.000000e+00> : vector<40x768xf32>
    %dot_general3A_16 = tpu.matmul %max3A_9, %get3A_14, %dot_general3A_15 {dimension_numbers = #tpu.dot_dimension_numbers<[1], [0], [0], [1], [0, 0, 1, 1], [], []>, transpose_lhs_hint = false} : vector<40x2048xf32>, vector<2048x768xf32>, vector<40x768xf32> -> vector<40x768xf32>
    %swap3A = arith.constant 0 : index
    %swap3A_17 = arith.constant 0 : index
    %swap3A_18 = vector.load %arg4[%swap3A, %swap3A_17] : memref<40x768xf32, #tpu.memory_space<vmem>>, vector<40x768xf32>
    tpu.vector_store %arg4[%swap3A, %swap3A_17], %dot_general3A_16 {strides = array<i32>} : memref<40x768xf32, #tpu.memory_space<vmem>>, vector<40x768xf32>,
    return
  }
  func.func @transform_0(%arg0: i32) -> (i32, i32) {
    %c0_i32 = arith.constant 0 : i32
    %c0_i32_0 = arith.constant 0 : i32
    return %arg0, %c0_i32 : i32, i32
  }
  func.func @transform_1(%arg0: i32) -> (i32, i32, i32) {
    %c0_i32 = arith.constant 0 : i32
    %c0_i32_0 = arith.constant 0 : i32
    %c0_i32_1 = arith.constant 0 : i32
    return %arg0, %c0_i32, %c0_i32_0 : i32, i32, i32
  }
  func.func @transform_2(%arg0: i32) -> (i32, i32, i32) {
    %c0_i32 = arith.constant 0 : i32
    %c0_i32_0 = arith.constant 0 : i32
    %c0_i32_1 = arith.constant 0 : i32
    return %arg0, %c0_i32, %c0_i32_0 : i32, i32, i32
  }
  func.func @transform_3(%arg0: i32) -> (i32, i32) {
    %add3A = arith.constant 64 : i32
    %add3A_0 = arith.addi %add3A, %arg0 : i32
    %c0_i32 = arith.constant 0 : i32
    %c0_i32_1 = arith.constant 0 : i32
    return %add3A_0, %c0_i32 : i32, i32
  }
}

module attributes {stable_mosaic.version = 14 : i64} {
  func.func @_router_body(%arg0: i32, %arg1: memref<1x512x768xf32, #tpu.memory_space<vmem>>, %arg2: memref<64x768xf32, #tpu.memory_space<vmem>>, %arg3: memref<512x64xf32, #tpu.memory_space<vmem>>, %arg4: memref<512x768xf32, #tpu.memory_space<vmem>>, %arg5: memref<2048xi32, #tpu.memory_space<vmem>>, %arg6: memref<2048xi32, #tpu.memory_space<vmem>>, %arg7: memref<2048xi32, #tpu.memory_space<vmem>>, %arg8: memref<8x64xf32, #tpu.memory_space<vmem>>) attributes {dimension_semantics = [#tpu.dimension_semantics<arbitrary>], iteration_bounds = array<i64: 4>, scalar_prefetch = 0 : i64, scratch_operands = 1 : i64, tpu.core_type = #tpu.core_type<tc>, window_params = [{transform_indices = @transform_0, window_bounds = array<i64: 1, 512, 768>}, {pipeline_mode = #tpu.pipeline_mode<synchronous>, transform_indices = @transform_1, window_bounds = array<i64: 64, 768>}, {transform_indices = @transform_2, window_bounds = array<i64: 512, 64>}, {transform_indices = @transform_3, window_bounds = array<i64: 512, 768>}, {pipeline_mode = #tpu.pipeline_mode<synchronous>, transform_indices = @transform_4, window_bounds = array<i64: 2048>}, {pipeline_mode = #tpu.pipeline_mode<synchronous>, transform_indices = @transform_5, window_bounds = array<i64: 2048>}, {pipeline_mode = #tpu.pipeline_mode<synchronous>, transform_indices = @transform_6, window_bounds = array<i64: 2048>}]} {
    %eq3A = arith.constant 0 : i32
    %eq3A_0 = arith.cmpi eq, %arg0, %eq3A : i32
    %convert_element_type3A = arith.extui %eq3A_0 : i1 to i32
    %cond3A = arith.constant 0 : i32
    %cond3A_1 = arith.cmpi ne, %convert_element_type3A, %cond3A : i32
    scf.if %cond3A_1 {
      %broadcast_in_dim3A_111 = arith.constant 0.000000e+00 : f32
      %broadcast_in_dim3A_112 = vector.broadcast %broadcast_in_dim3A_111 : f32 to vector<8x64xf32>
      %swap3A_113 = arith.constant 0 : index
      %swap3A_114 = arith.constant 0 : index
      %swap3A_115 = vector.load %arg8[%swap3A_113, %swap3A_114] : memref<8x64xf32, #tpu.memory_space<vmem>>, vector<8x64xf32>
      tpu.vector_store %arg8[%swap3A_113, %swap3A_114], %broadcast_in_dim3A_112 {strides = array<i32>} : memref<8x64xf32, #tpu.memory_space<vmem>>, vector<8x64xf32>,
    } else {
    }
    %get3A = arith.constant 0 : index
    %get3A_2 = arith.constant 0 : index
    %get3A_3 = arith.constant 0 : index
    %get3A_4 = vector.load %arg1[%get3A, %get3A_2, %get3A_3] : memref<1x512x768xf32, #tpu.memory_space<vmem>>, vector<1x512x768xf32>
    %get3A_5 = vector.shape_cast %get3A_4 : vector<1x512x768xf32> to vector<512x768xf32>
    %get3A_6 = arith.constant 0 : index
    %get3A_7 = arith.constant 0 : index
    %get3A_8 = vector.load %arg2[%get3A_6, %get3A_7] : memref<64x768xf32, #tpu.memory_space<vmem>>, vector<64x768xf32>
    %dot_general3A = arith.constant dense<0.000000e+00> : vector<512x64xf32>
    %dot_general3A_9 = tpu.matmul %get3A_5, %get3A_8, %dot_general3A {dimension_numbers = #tpu.dot_dimension_numbers<[1], [1], [0], [0], [0, 0, 1, 0], [], []>, transpose_lhs_hint = false} : vector<512x768xf32>, vector<64x768xf32>, vector<512x64xf32> -> vector<512x64xf32>
    %swap3A = arith.constant 0 : index
    %swap3A_10 = arith.constant 0 : index
    %swap3A_11 = vector.load %arg3[%swap3A, %swap3A_10] : memref<512x64xf32, #tpu.memory_space<vmem>>, vector<512x64xf32>
    tpu.vector_store %arg3[%swap3A, %swap3A_10], %dot_general3A_9 {strides = array<i32>} : memref<512x64xf32, #tpu.memory_space<vmem>>, vector<512x64xf32>,
    %reduce_max3A = arith.constant dense<0xFF800000> : vector<512xf32>
    %reduce_max3A_12 = vector.multi_reduction <maximumf>, %dot_general3A_9, %reduce_max3A [1] : vector<512x64xf32> to vector<512xf32>
    %broadcast_in_dim3A = vector.shape_cast %reduce_max3A_12 : vector<512xf32> to vector<512x1xf32>
    %iota3A = tpu.iota {dimensions = array<i32: 1>} : vector<512x64xi32>
    %eq3A_13 = vector.broadcast %broadcast_in_dim3A : vector<512x1xf32> to vector<512x64xf32>
    %eq3A_14 = arith.cmpf oeq, %dot_general3A_9, %eq3A_13 : vector<512x64xf32>
    %jit3A = arith.constant 64 : i32
    %broadcast_in_dim3A_15 = vector.broadcast %jit3A : i32 to vector<512x64xi32>
    %select_n3A = arith.select %eq3A_14, %iota3A, %broadcast_in_dim3A_15 : vector<512x64xi1>, vector<512x64xi32>
    %reduce_min3A = arith.constant dense<2147483647> : vector<512xi32>
    %reduce_min3A_16 = vector.multi_reduction <minsi>, %select_n3A, %reduce_min3A [1] : vector<512x64xi32> to vector<512xi32>
    %broadcast_in_dim3A_17 = vector.shape_cast %reduce_min3A_16 : vector<512xi32> to vector<512x1xi32>
    %sub3A = vector.broadcast %broadcast_in_dim3A : vector<512x1xf32> to vector<512x64xf32>
    %sub3A_18 = arith.subf %dot_general3A_9, %sub3A : vector<512x64xf32>
    %exp3A = math.exp %sub3A_18 : vector<512x64xf32>
    %reduce_sum3A = arith.constant dense<0.000000e+00> : vector<512xf32>
    %reduce_sum3A_19 = vector.multi_reduction <add>, %exp3A, %reduce_sum3A [1] : vector<512x64xf32> to vector<512xf32>
    %broadcast_in_dim3A_20 = vector.shape_cast %reduce_sum3A_19 : vector<512xf32> to vector<512x1xf32>
    %div3A = arith.constant 1.000000e+00 : f32
    %div3A_21 = vector.broadcast %div3A : f32 to vector<512x1xf32>
    %div3A_22 = arith.divf %div3A_21, %broadcast_in_dim3A_20 : vector<512x1xf32>
    %eq3A_23 = vector.broadcast %broadcast_in_dim3A_17 : vector<512x1xi32> to vector<512x64xi32>
    %eq3A_24 = arith.cmpi eq, %iota3A, %eq3A_23 : vector<512x64xi32>
    %convert_element_type3A_25 = arith.extui %eq3A_24 : vector<512x64xi1> to vector<512x64xi32>
    %convert_element_type3A_26 = arith.sitofp %convert_element_type3A_25 : vector<512x64xi32> to vector<512x64xf32>
    %iota3A_27 = tpu.iota {dimensions = array<i32: 0>} : vector<512x512xi32>
    %iota3A_28 = tpu.iota {dimensions = array<i32: 1>} : vector<512x512xi32>
    %ge3A = arith.cmpi sge, %iota3A_27, %iota3A_28 : vector<512x512xi32>
    %convert_element_type3A_29 = arith.extui %ge3A : vector<512x512xi1> to vector<512x512xi32>
    %convert_element_type3A_30 = arith.sitofp %convert_element_type3A_29 : vector<512x512xi32> to vector<512x512xf32>
    %dot_general3A_31 = arith.constant dense<0.000000e+00> : vector<512x64xf32>
    %dot_general3A_32 = tpu.matmul %convert_element_type3A_30, %convert_element_type3A_26, %dot_general3A_31 {dimension_numbers = #tpu.dot_dimension_numbers<[1], [0], [0], [1], [0, 0, 1, 1], [], []>, transpose_lhs_hint = false} : vector<512x512xf32>, vector<512x64xf32>, vector<512x64xf32> -> vector<512x64xf32>
    %get3A_33 = arith.constant 0 : index
    %get3A_34 = arith.constant 0 : index
    %get3A_35 = vector.load %arg8[%get3A_33, %get3A_34] : memref<8x64xf32, #tpu.memory_space<vmem>>, vector<1x64xf32>
    %add3A = vector.broadcast %get3A_35 : vector<1x64xf32> to vector<512x64xf32>
    %add3A_36 = arith.addf %dot_general3A_32, %add3A : vector<512x64xf32>
    %get3A_37 = arith.constant 0 : index
    %get3A_38 = arith.constant 0 : index
    %get3A_39 = vector.load %arg8[%get3A_37, %get3A_38] : memref<8x64xf32, #tpu.memory_space<vmem>>, vector<1x64xf32>
    %reduce_sum3A_40 = arith.constant dense<0.000000e+00> : vector<64xf32>
    %reduce_sum3A_41 = vector.multi_reduction <add>, %convert_element_type3A_26, %reduce_sum3A_40 [0] : vector<512x64xf32> to vector<64xf32>
    %broadcast_in_dim3A_42 = vector.shape_cast %reduce_sum3A_41 : vector<64xf32> to vector<1x64xf32>
    %add3A_43 = arith.addf %get3A_39, %broadcast_in_dim3A_42 : vector<1x64xf32>
    %swap3A_44 = arith.constant 0 : index
    %swap3A_45 = arith.constant 0 : index
    %swap3A_46 = vector.load %arg8[%swap3A_44, %swap3A_45] : memref<8x64xf32, #tpu.memory_space<vmem>>, vector<1x64xf32>
    tpu.vector_store %arg8[%swap3A_44, %swap3A_45], %add3A_43 {strides = array<i32>} : memref<8x64xf32, #tpu.memory_space<vmem>>, vector<1x64xf32>,
    %mul3A = arith.mulf %convert_element_type3A_26, %add3A_36 : vector<512x64xf32>
    %reduce_sum3A_47 = arith.constant dense<0.000000e+00> : vector<512xf32>
    %reduce_sum3A_48 = vector.multi_reduction <add>, %mul3A, %reduce_sum3A_47 [1] : vector<512x64xf32> to vector<512xf32>
    %broadcast_in_dim3A_49 = vector.shape_cast %reduce_sum3A_48 : vector<512xf32> to vector<512x1xf32>
    %le3A = arith.constant 4.000000e+01 : f32
    %le3A_50 = vector.broadcast %le3A : f32 to vector<512x1xf32>
    %le3A_51 = arith.cmpf ole, %broadcast_in_dim3A_49, %le3A_50 : vector<512x1xf32>
    %mul3A_52 = arith.constant 512 : i32
    %mul3A_53 = arith.muli %arg0, %mul3A_52 : i32
    %iota3A_54 = tpu.iota {dimensions = array<i32: 0>} : vector<512x1xi32>
    %add3A_55 = vector.broadcast %mul3A_53 : i32 to vector<512x1xi32>
    %add3A_56 = arith.addi %add3A_55, %iota3A_54 : vector<512x1xi32>
    %mul3A_57 = arith.constant 40 : i32
    %mul3A_58 = vector.broadcast %mul3A_57 : i32 to vector<512x1xi32>
    %mul3A_59 = arith.muli %broadcast_in_dim3A_17, %mul3A_58 : vector<512x1xi32>
    %convert_element_type3A_60 = arith.fptosi %broadcast_in_dim3A_49 : vector<512x1xf32> to vector<512x1xi32>
    %add3A_61 = arith.addi %mul3A_59, %convert_element_type3A_60 : vector<512x1xi32>
    %sub3A_62 = arith.constant 1 : i32
    %sub3A_63 = vector.broadcast %sub3A_62 : i32 to vector<512x1xi32>
    %sub3A_64 = arith.subi %add3A_61, %sub3A_63 : vector<512x1xi32>
    %add3A_65 = arith.constant 5120 : i32
    %add3A_66 = vector.broadcast %add3A_65 : i32 to vector<512x1xi32>
    %add3A_67 = arith.addi %add3A_66, %add3A_56 : vector<512x1xi32>
    %select_n3A_68 = arith.select %le3A_51, %sub3A_64, %add3A_67 : vector<512x1xi1>, vector<512x1xi32>
    %convert_element_type3A_69 = arith.sitofp %select_n3A_68 : vector<512x1xi32> to vector<512x1xf32>
    %add3A_70 = arith.constant 2560 : i32
    %add3A_71 = vector.broadcast %add3A_70 : i32 to vector<512x1xi32>
    %add3A_72 = arith.addi %add3A_71, %sub3A_64 : vector<512x1xi32>
    %add3A_73 = arith.constant 5120 : i32
    %add3A_74 = vector.broadcast %add3A_73 : i32 to vector<512x1xi32>
    %add3A_75 = arith.addi %add3A_74, %add3A_56 : vector<512x1xi32>
    %select_n3A_76 = arith.select %le3A_51, %add3A_72, %add3A_75 : vector<512x1xi1>, vector<512x1xi32>
    %convert_element_type3A_77 = arith.sitofp %select_n3A_76 : vector<512x1xi32> to vector<512x1xf32>
    %jit3A_78 = arith.constant 0 : i32
    %broadcast_in_dim3A_79 = vector.broadcast %jit3A_78 : i32 to vector<512x1xi32>
    %select_n3A_80 = arith.select %le3A_51, %broadcast_in_dim3A_17, %broadcast_in_dim3A_79 : vector<512x1xi1>, vector<512x1xi32>
    %convert_element_type3A_81 = arith.sitofp %select_n3A_80 : vector<512x1xi32> to vector<512x1xf32>
    %concatenate3A = tpu.concatenate %convert_element_type3A_69, %convert_element_type3A_77, %convert_element_type3A_81 in 1 : vector<512x1xf32>, vector<512x1xf32>, vector<512x1xf32> -> vector<512x3xf32>
    %eq3A_82 = arith.cmpi eq, %iota3A_27, %iota3A_28 : vector<512x512xi32>
    %convert_element_type3A_83 = arith.extui %eq3A_82 : vector<512x512xi1> to vector<512x512xi32>
    %convert_element_type3A_84 = arith.sitofp %convert_element_type3A_83 : vector<512x512xi32> to vector<512x512xf32>
    %dot_general3A_85 = arith.constant dense<0.000000e+00> : vector<3x512xf32>
    %dot_general3A_86 = tpu.matmul %concatenate3A, %convert_element_type3A_84, %dot_general3A_85 {dimension_numbers = #tpu.dot_dimension_numbers<[0], [0], [1], [1], [0, 1, 1, 1], [], []>, precision = #tpu.contract_precision<fp32>, transpose_lhs_hint = false} : vector<512x3xf32>, vector<512x512xf32>, vector<3x512xf32> -> vector<3x512xf32>
    %slice3A = vector.extract_strided_slice %dot_general3A_86 {offsets = [0, 0], sizes = [1, 512], strides = [1, 1]} : vector<3x512xf32> to vector<1x512xf32>
    %squeeze3A = vector.shape_cast %slice3A : vector<1x512xf32> to vector<512xf32>
    %convert_element_type3A_87 = arith.fptosi %squeeze3A : vector<512xf32> to vector<512xi32>
    %mul3A_88 = arith.constant 512 : i32
    %mul3A_89 = arith.muli %arg0, %mul3A_88 : i32
    %swap3A_90 = arith.index_cast %mul3A_89 : i32 to index
    %swap3A_91 = vector.load %arg5[%swap3A_90] : memref<2048xi32, #tpu.memory_space<vmem>>, vector<512xi32>
    tpu.vector_store %arg5[%swap3A_90], %convert_element_type3A_87 {strides = array<i32>} : memref<2048xi32, #tpu.memory_space<vmem>>, vector<512xi32>,
    %slice3A_92 = vector.extract_strided_slice %dot_general3A_86 {offsets = [1, 0], sizes = [1, 512], strides = [1, 1]} : vector<3x512xf32> to vector<1x512xf32>
    %squeeze3A_93 = vector.shape_cast %slice3A_92 : vector<1x512xf32> to vector<512xf32>
    %convert_element_type3A_94 = arith.fptosi %squeeze3A_93 : vector<512xf32> to vector<512xi32>
    %mul3A_95 = arith.constant 512 : i32
    %mul3A_96 = arith.muli %arg0, %mul3A_95 : i32
    %swap3A_97 = arith.index_cast %mul3A_96 : i32 to index
    %swap3A_98 = vector.load %arg6[%swap3A_97] : memref<2048xi32, #tpu.memory_space<vmem>>, vector<512xi32>
    tpu.vector_store %arg6[%swap3A_97], %convert_element_type3A_94 {strides = array<i32>} : memref<2048xi32, #tpu.memory_space<vmem>>, vector<512xi32>,
    %slice3A_99 = vector.extract_strided_slice %dot_general3A_86 {offsets = [2, 0], sizes = [1, 512], strides = [1, 1]} : vector<3x512xf32> to vector<1x512xf32>
    %squeeze3A_100 = vector.shape_cast %slice3A_99 : vector<1x512xf32> to vector<512xf32>
    %convert_element_type3A_101 = arith.fptosi %squeeze3A_100 : vector<512xf32> to vector<512xi32>
    %mul3A_102 = arith.constant 512 : i32
    %mul3A_103 = arith.muli %arg0, %mul3A_102 : i32
    %swap3A_104 = arith.index_cast %mul3A_103 : i32 to index
    %swap3A_105 = vector.load %arg7[%swap3A_104] : memref<2048xi32, #tpu.memory_space<vmem>>, vector<512xi32>
    tpu.vector_store %arg7[%swap3A_104], %convert_element_type3A_101 {strides = array<i32>} : memref<2048xi32, #tpu.memory_space<vmem>>, vector<512xi32>,
    %mul3A_106 = vector.broadcast %div3A_22 : vector<512x1xf32> to vector<512x768xf32>
    %mul3A_107 = arith.mulf %get3A_5, %mul3A_106 : vector<512x768xf32>
    %swap3A_108 = arith.constant 0 : index
    %swap3A_109 = arith.constant 0 : index
    %swap3A_110 = vector.load %arg4[%swap3A_108, %swap3A_109] : memref<512x768xf32, #tpu.memory_space<vmem>>, vector<512x768xf32>
    tpu.vector_store %arg4[%swap3A_108, %swap3A_109], %mul3A_107 {strides = array<i32>} : memref<512x768xf32, #tpu.memory_space<vmem>>, vector<512x768xf32>,
    return
  }
  func.func @transform_0(%arg0: i32) -> (i32, i32, i32) {
    %c0_i32 = arith.constant 0 : i32
    %c0_i32_0 = arith.constant 0 : i32
    %c0_i32_1 = arith.constant 0 : i32
    return %c0_i32, %arg0, %c0_i32_0 : i32, i32, i32
  }
  func.func @transform_1(%arg0: i32) -> (i32, i32) {
    %c0_i32 = arith.constant 0 : i32
    %c0_i32_0 = arith.constant 0 : i32
    %c0_i32_1 = arith.constant 0 : i32
    return %c0_i32, %c0_i32_0 : i32, i32
  }
  func.func @transform_2(%arg0: i32) -> (i32, i32) {
    %c0_i32 = arith.constant 0 : i32
    %c0_i32_0 = arith.constant 0 : i32
    return %arg0, %c0_i32 : i32, i32
  }
  func.func @transform_3(%arg0: i32) -> (i32, i32) {
    %c0_i32 = arith.constant 0 : i32
    %c0_i32_0 = arith.constant 0 : i32
    return %arg0, %c0_i32 : i32, i32
  }
  func.func @transform_4(%arg0: i32) -> i32 {
    %c0_i32 = arith.constant 0 : i32
    %c0_i32_0 = arith.constant 0 : i32
    return %c0_i32 : i32
  }
  func.func @transform_5(%arg0: i32) -> i32 {
    %c0_i32 = arith.constant 0 : i32
    %c0_i32_0 = arith.constant 0 : i32
    return %c0_i32 : i32
  }
  func.func @transform_6(%arg0: i32) -> i32 {
    %c0_i32 = arith.constant 0 : i32
    %c0_i32_0 = arith.constant 0 : i32
    return %c0_i32 : i32
  }
}

</mosaic_0001>

<sc_bundles>
// kernel: kernel.6.cloned.1.call-start
scs
__scs_entry_jumppad:
0x0: {  	(pc) =	sbr.rel $0x88, $3  }
0x1: {  	(tag) =	ssettag $0x0;
	lr =	simm.s32 $0x1  }
0x2: {  	[smem:$0x3F9D] =	sst lr;
	_ =	strace $0xD0000000  }
0x3: {  	_ = 	snop  }
0x4: {  	_ = 	snop  }
0x5: {  	_ = 	snop  }
0x6: {  	_ = 	snop  }
0x7: {  	_ = 	snop  }
__scs_overlays_trampoline_lowered:
0x8: {  	[smem:$0x3FAC] =	sst s0  }
0x9: {  	[smem:$0x3FAD] =	sst s1  }
0xa: {  	[smem:$0x3FAE] =	sst s2  }
0xb: {  	[smem:$0x3FAF] =	sst s3  }
0xc: {  	[smem:$0x3FB0] =	sst s4  }
0xd: {  	[smem:$0x3FB1] =	sst s5  }
0xe: {  	[smem:$0x3FB2] =	sst s6  }
0xf: {  	[smem:$0x3FB3] =	sst s7  }
0x10: {  	[smem:$0x3FB4] =	sst s8  }
0x11: {  	[smem:$0x3FB5] =	sst s9;
	s0 =	simm.s32 @!p0 $0x0  }
0x12: {  	s1 =	sld [smem:$0x3F9B];
	s0 =	simm.s32 @p0 $0x1  }
0x13: {  	[smem:$0x3FB6] =	sst s0;
	s0 =	simm.s32 @!p1 $0x0  }
0x14: {  	s2 =	sld [smem:$0x3F9A];
	s0 =	simm.s32 @p1 $0x1  }
0x15: {  	[smem:$0x3FB7] =	sst s0;
	s0 =	simm.s32 @!p2 $0x0  }
0x16: {  	s3 =	sld [smem:$0x3FDB];
	s0 =	simm.s32 @p2 $0x1  }
0x17: {  	s4 =	simm.s32 $0x1BF5;
	[smem:$0x3FB9] =	sst s0  }
0x18: {  	s0 =	sld [smem:$0x3F9C];
	_ =	swait.ge [sflag:s4], $0x0  }
0x19: {  	s7 =	sld [smem:$0x3F9D]  }
0x1a: {  	s8 =	sadd.s32 $0xFFFFE003, lr  }
0x1b: {  	s9 =	sadd.s32 $0xFFFFFEF7, lr;
	s5 =	simm.s32 $0xFFFFFFFF;
	p2 =	slt.u32 s8, $0xFFFFF086  }
0x1c: {  	p1 =	slt.u32 s9, $0xF7A;
	s5 =	simm.s32 @!p2 $0x0  }
0x1d: {  	s5 =	simm.s32 @p1 $0x1;
	p0 =	seq.s32 s7, s2  }
0x1e: {  	s7 =	smul.u32 @!p0 $0xF7A, s2;
	p2 =	seq.s32 @!p0 s5, $0x0  }
0x1f: {  	s9 =	smul.u32 $0xF7A, s1;
	s8 =	simm.s32 @!p0 $0x1BF5;
	p2 =	por !p2, p0  }
0x20: {  	[sflag:s8] =	ssyncset.s32 @!p0 $0xFFFFF086;
	s6 =	sadd.s32 @!p0 s3, s7;
	s7 =	simm.s32 @!p0 $0x108  }
0x21: {  	s3 =	sadd.s32 s3, s9;
	s6 =	sadd.s32 @!p0 $0x88, s6;
	s7 =	simm.s32 @p2 $0x1082  }
0x22: {  	[simem:s7], [sflag:s8] =	dma.local @!p0 [hbm:s6], $0xF7A  }
0x23: {  	s9 =	sor.u32 $0xD0000000, s2;
	s6 =	simm.s32 $0x108;
	_ =	swait.ge @!p0 [sflag:s8], $0x0  }
0x24: {  	s3 =	sadd.s32 $0x88, s3;
	s6 =	simm.s32 @!p1 $0x1082;
	[sflag:s4] =	ssyncset.s32 $0xFFFFF086  }
0x25: {  	[simem:s6], [sflag:s4] =	dma.local [hbm:s3], $0xF7A  }
0x26: {  	[smem:$0x3F9D] =	sst s1;
	(tag) =	ssettag s2;
	_ =	strace s9  }
0x27: {  	s1 =	sld [smem:$0x3FAD]  }
0x28: {  	s2 =	sld [smem:$0x3FAE]  }
0x29: {  	s4 =	sld [smem:$0x3FB0]  }
0x2a: {  	p0 =	seq.s32 s5, $0x0;
	s5 =	sld [smem:$0x3FB1]  }
0x2b: {  	s6 =	sld [smem:$0x3FB2]  }
0x2c: {  	s7 =	sld [smem:$0x3FB3]  }
0x2d: {  	s3 =	simm.s32 $0x108;
	s8 =	sld [smem:$0x3FB4]  }
0x2e: {  	s3 =	simm.s32 @!p0 $0x1082;
	s9 =	sld [smem:$0x3FB5]  }
0x2f: {  	lr =	sadd.s32 s0, s3;
	s0 =	sld [smem:$0x3FAC]  }
0x30: {  	s3 =	sld [smem:$0x3FAF]  }
0x31: {  	[smem:$0x3FB8] =	sst s10  }
0x32: {  	s10 =	sld [smem:$0x3FB6];
	_ =	sdelay $0x3  }
0x33: {  	p0 =	seq.s32 s10, $0x1;
	s10 =	sld [smem:$0x3FB8];
	_ =	sdelay $0x3  }
0x34: {  	[smem:$0x3FB8] =	sst s10  }
0x35: {  	s10 =	sld [smem:$0x3FB7];
	_ =	sdelay $0x3  }
0x36: {  	p1 =	seq.s32 s10, $0x1;
	s10 =	sld [smem:$0x3FB8];
	_ =	sdelay $0x3  }
0x37: {  	[smem:$0x3FB8] =	sst s10  }
0x38: {  	s10 =	sld [smem:$0x3FB9]  }
0x39: {  	_ = 	snop;
	(pc) =	sbr.ind lr, $3  }
0x3a: {  	_ = 	snop  }
0x3b: {  	_ = 	snop  }
0x3c: {  	p2 =	seq.s32 s10, $0x1;
	s10 =	sld [smem:$0x3FB8]  }
0x3d: {  	_ =	shalt  }
0x3e: {  	_ =	shalt  }
0x3f: {  	_ =	shalt  }
0x40: {  	_ =	shalt  }
0x41: {  	_ =	shalt  }
0x42: {  	_ =	shalt  }
0x43: {  	_ =	shalt  }
0x44: {  	_ =	shalt  }
0x45: {  	_ =	shalt  }
0x46: {  	_ =	shalt  }
0x47: {  	_ =	shalt  }
0x48: {  	_ =	shalt  }
0x49: {  	_ =	shalt  }
0x4a: {  	_ =	shalt  }
0x4b: {  	_ =	shalt  }
0x4c: {  	_ =	shalt  }
0x4d: {  	_ =	shalt  }
0x4e: {  	_ =	shalt  }
0x4f: {  	_ =	shalt  }
0x50: {  	_ =	shalt  }
0x51: {  	_ =	shalt  }
0x52: {  	_ =	shalt  }
0x53: {  	_ =	shalt  }
0x54: {  	_ =	shalt  }
0x55: {  	_ =	shalt  }
0x56: {  	_ =	shalt  }
0x57: {  	_ =	shalt  }
0x58: {  	_ =	shalt  }
0x59: {  	_ =	shalt  }
0x5a: {  	_ =	shalt  }
0x5b: {  	_ =	shalt  }
0x5c: {  	_ =	shalt  }
0x5d: {  	_ =	shalt  }
0x5e: {  	_ =	shalt  }
0x5f: {  	_ =	shalt  }
0x60: {  	_ =	shalt  }
0x61: {  	_ =	shalt  }
0x62: {  	_ =	shalt  }
0x63: {  	_ =	shalt  }
0x64: {  	_ =	shalt  }
0x65: {  	_ =	shalt  }
0x66: {  	_ =	shalt  }
0x67: {  	_ =	shalt  }
0x68: {  	_ =	shalt  }
0x69: {  	_ =	shalt  }
0x6a: {  	_ =	shalt  }
0x6b: {  	_ =	shalt  }
0x6c: {  	_ =	shalt  }
0x6d: {  	_ =	shalt  }
0x6e: {  	_ =	shalt  }
0x6f: {  	_ =	shalt  }
0x70: {  	_ =	shalt  }
0x71: {  	_ =	shalt  }
0x72: {  	_ =	shalt  }
0x73: {  	_ =	shalt  }
0x74: {  	_ =	shalt  }
0x75: {  	_ =	shalt  }
0x76: {  	_ =	shalt  }
0x77: {  	_ =	shalt  }
0x78: {  	_ =	shalt  }
0x79: {  	_ =	shalt  }
0x7a: {  	_ =	shalt  }
0x7b: {  	_ =	shalt  }
0x7c: {  	_ =	shalt  }
0x7d: {  	_ =	shalt  }
0x7e: {  	_ =	shalt  }
0x7f: {  	_ =	shalt  }
0x80: {  	_ =	shalt  }
0x81: {  	_ =	shalt  }
0x82: {  	_ =	shalt  }
0x83: {  	_ =	shalt  }
0x84: {  	_ =	shalt  }
0x85: {  	_ =	shalt  }
0x86: {  	_ =	shalt  }
0x87: {  	_ =	shalt  }
.Lfunc_end0:
.L_simem_size_0:
called_computation_lowered:
.L_overlay_start_0:
0x88: {  	s2 =	sld [smem:$0x3FD9]  }
0x89: {  	s3 =	sld [smem:$0x3FFE];
	_ =	sdelay $0x1  }
0x8a: {  	s1 =	srdreg.scid  }
0x8b: {  	s0 =	sand.u32 $0x1, s1  }
0x8c: {  	s14 =	sshll.u32 s0, $0xA;
	s2 =	sadd.s32 s3, s2  }
0x8d: {  	s2 =	sadd.s32 s2, s14  }
0x8e: {  	[smem:$0x3FC4] =	sst s2  }
0x8f: {  	_ = 	snop  }
0x90: {  	s2 =	sld [smem:$0x3FD0];
	_ =	sdelay $0x2  }
0x91: {  	s15 =	simm.s32 $0xA;
	s4 =	simm.s32 $0x10  }
0x92: {  	[smem:s4], [sflag:s15] =	dma.local [hbm:s2], $0x1  }
0x93: {  	_ =	swait.eq [sflag:s15], $0x1  }
0x94: {  	[sflag:s15] =	ssyncset.done $0x0  }
0x95: {  	s16 =	sld [smem:$0x10];
	[sflag:s15] =	ssyncadd.s32 $0xFFFFFFFF  }
0x96: {  	s17 =	sld [smem:$0x11];
	(tm) =	ssettm $0x1  }
0x97: {  	s18 =	sld [smem:$0x3FFB];
	_ =	sdelay $0x3  }
0x98: {  	_ =	strace s18  }
0x99: {  	s4 =	sld [smem:$0x3FFC];
	_ =	sdelay $0x3  }
0x9a: {  	_ =	strace s4  }
0x9b: {  	s4 =	sld [smem:$0x3FFD];
	_ =	sdelay $0x3  }
0x9c: {  	_ =	strace s4  }
0x9d: {  	_ =	strace $0x8FFFFFFF  }
0x9e: {  	s19 =	sld [smem:$0x3FDB];
	_ =	sdelay $0x1  }
0x9f: {  	s5 =	simm.s32 $_scs_section_size  }
0xa0: {  	s6 =	simm.s32 $_size__tile_overlayer_lowered;
	s7 =	simm.s32 $_tile_overlayer_lowered  }
0xa1: {  	s22 =	simm.s32 $0x1BFF;
	s21 =	sshll.u32 s7, $0x1;
	s4 =	sadd.s32 s5, s19  }
0xa2: {  	s8 =	simm.s32 $0x0;
	s20 =	sshll.u32 s6, $0x1;
	s6 =	sadd.s32 s21, s4  }
0xa3: {  	[timem:s8], [sflag:s22] =	dma.local [hbm:s6], s20  }
0xa4: {  	_ =	swait.ge [sflag:s22], s20  }
0xa5: {  	s5 =	ssub.s32 $0x0, s20;
	[sflag:s22] =	ssyncset.done $0x0  }
0xa6: {  	[sflag:s22] =	ssyncadd.s32 s5;
	_ =	sdelay $0x1  }
0xa7: {  	s23 =	simm.s32 $0x1B8B  }
0xa8: {  	_ =	swait.ge [sflag:s23], $0x1  }
0xa9: {  	[sflag:s23] =	ssyncset.done $0x0  }
0xaa: {  	s25 =	simm.s32 $0x1B8E;
	s24 =	sld [smem:$0x3FFE];
	[sflag:s23] =	ssyncadd.s32 $0xFFFFFFFF  }
0xab: {  	s26 =	simm.s32 $execute0_lowered;
	[smem:$0x3FD2] =	sst s25  }
0xac: {  	s6 =	sshll.u32 s26, $0x1;
	_ =	strace $0x80000046;
	[dreg:$0x1] =	wrdreg $0xFFFFFFFF  }
0xad: {  	s28 =	simm.s32 $_size_execute0_lowered;
	s4 =	sadd.s32 s4, s6;
	[dreg:$0x0] =	wrdreg $0x0  }
0xae: {  	s6 =	sshll.u32 s28, $0x1;
	[dreg:$0x2] =	wrdreg s4  }
0xaf: {  	[dreg:$0x3] =	wrdreg s6  }
0xb0: {  	[dreg:$0x4] =	wrdreg $0xC0  }
0xb1: {  	_ =	task [dreg:s8], $0x5FFFF  }
0xb2: {  	[dreg:$0x1] =	wrdreg $0xFFFFFFFF  }
0xb3: {  	[dreg:$0x0] =	wrdreg $0x60  }
0xb4: {  	[dreg:$0x2] =	wrdreg s16  }
0xb5: {  	[dreg:$0x3] =	wrdreg s17  }
0xb6: {  	[dreg:$0x4] =	wrdreg s24  }
0xb7: {  	[dreg:$0x5] =	wrdreg $0x9  }
0xb8: {  	_ =	task.clear_ibuf [dreg:s8], $0x6FFFF;
	_ =	strace $0x90000046  }
0xb9: {  	s29 =	simm.s32 $0x9;
	_ =	strace $0x80000048  }
0xba: {  	_ =	swait.ge [sflag:s29], $0x1  }
0xbb: {  	[sflag:s29] =	ssyncadd.s32 $0xFFFFFFFF  }
0xbc: {  	_ =	strace $0x90000048  }
0xbd: {  	_ =	sfence  }
0xbe: {  	s30 =	sld [smem:$0x0];
	_ =	sdelay $0x2  }
0xbf: {  	s31 =	sshll.u32 s1, $0xD;
	s1 =	sshrl.u32 s1, $0x2  }
0xc0: {  	s3 =	sand.u32 $0x4000, s31;
	s1 =	sadd.s32 s1, s30  }
0xc1: {  	s0 =	sor.u32 s3, s0;
	s1 =	sshll.u32 s1, $0x11  }
0xc2: {  	s0 =	sor.u32 s1, s0  }
0xc3: {  	s0 =	sadd.s32 $0x8F2B, s0  }
0xc4: {  	[sflag:s0] =	ssyncadd.remote.s32 $0x1  }
0xc5: {  	_ =	sfence.sel $0xFFFF  }
0xc6: {  	[dreg:$0x0] =	wrdreg $0xFFFFFFFF;
	(pc) =	sbr.abs _section_cstart, $3  }
0xc7: {  	[dreg:$0x1] =	wrdreg $0xFFFFFFFF  }
0xc8: {  	_ =	task.clear_ibuf [dreg:s8], $0x2FFFF;
	_ =	strace $0x9FFFFFFF  }
0xc9: {  	(tm) =	ssettm $0x7FFFFFFF  }
tec
execute0_lowered:
.L_overlay_start_1:
0x0: {  	(tag) =	ssettag $0x1  }
0x1: {  	s3 =	rddreg [dreg:$0x0]  }
0x2: {  	s1 =	srdreg.scid;
	s4 =	rddreg [dreg:$0x1]  }
0x3: {  	s0 =	stileid.u32;
	s6 =	rddreg [dreg:$0x2]  }
0x4: {  	s8 =	simm.s32 $0xC000;
	s9 =	simm.s32 $0x1000;
	s10 =	simm.s32 $0x1800  }
0x5: {  	s11 =	simm.s32 $0x2000;
	s12 =	simm.s32 $0x2800;
	s13 =	simm.s32 $0x3000  }
0x6: {  	s14 =	simm.s32 $0x3800;
	s15 =	simm.s32 $0x4000;
	s16 =	simm.s32 $0x4800  }
0x7: {  	s17 =	simm.s32 $0x5000;
	s18 =	simm.s32 $0x5800;
	s19 =	simm.s32 $0x6000  }
0x8: {  	s20 =	simm.s32 $0x6800;
	s21 =	simm.s32 $0x7000;
	s22 =	simm.s32 $0x7800  }
0x9: {  	s23 =	simm.s32 $0x8000;
	s24 =	simm.s32 $0x8800;
	s25 =	simm.s32 $0x9000  }
0xa: {  	s28 =	simm.s32 $0xA000;
	s29 =	simm.s32 $0xA800;
	s1 =	sand.u32 $0x1, s1  }
0xb: {  	s30 =	simm.s32 $0xB000;
	s2 =	sshll.u32 s0, $0x4;
	s5 =	sshll.u32 s1, $0x3  }
0xc: {  	s31 =	simm.s32 $0xB800;
	s1 =	ssub.s32 $0x2, s1;
	s5 =	sor.u32 s5, s2  }
0xd: {  	s2 =	simm.s32 $0x0;
	s26 =	sshrl.u32 s1, $0x1;
	s7 =	smul.u32 $0x300, s5  }
0xe: {  	[smem:$0x7FF] =	sst s2;
	s4 =	sadd.s32 s4, s5;
	s1 =	ssub.s32 s1, s26  }
0xf: {  	s5 =	sadd.s32 $0xA000, s6;
	_ =	strace $0x80000047;
	[dreg:$0x5] =	wrdreg s4  }
0x10: {  	v2 =	vlaneseq.u32;
	s26 =	simm.s32 $0x9800;
	[dreg:$0x6] =	wrdreg s8;
	s3 =	sadd.s32 s3, s7  }
0x11: {  	vm0 =	vmmov $0xffff;
	v1 =	vshrl.u32 v2, $0x3;
	s4 =	sadd.s32 $0x9F00, s6;
	s7 =	simm.s32 $0x2;
	[dreg:$0x4] =	wrdreg s3  }
0x12: {  	v0 =	vand.u32 $0x7, v2;
	v2 =	vor.u32 $0x8, v2;
	v1 =	vmul.u32 $0x8, v1;
	s3 =	sadd.s32 $0x9E00, s6;
	s6 =	smax.u32 s1, $0x1;
	s1 =	simm.s32 $0x1  }
.LBB2_1:
0x13: {  	s0 =	rddreg [dreg:$0x4]  }
0x14: {  	[tilespmem:s2], [sflag:$0x2] =	stream.linear.gather [hbm4b:s0+s2], $0xC000, $0x38;
	[tilespmem:$0xC080] =	vst v63  }
0x15: {  	_ =	swait.ge [sflag:s7], $0xC000  }
0x16: {  	s0 =	rddreg [dreg:$0x5];
	[sflag:s7] =	ssyncset.done $0x0  }
0x17: {  	s8 =	rddreg [dreg:$0x6];
	[sflag:s7] =	ssyncadd.s32 $0xFFFF4000  }
0x18: {  	[tilespmem:s8], [sflag:$0x2] =	stream.linear.gather [hbm4b:s0+s2], $0x40, $0x38;
	[tilespmem:$0xC080] =	vst v63  }
0x19: {  	_ =	swait.ge [sflag:s7], $0x40  }
0x1a: {  	[sflag:s7] =	ssyncset.done $0x0  }
0x1b: {  	[sflag:s7] =	ssyncadd.s32 $0xFFFFFFC0  }
0x1c: {  	v3 =	vld [tilespmem:$0xC000];
	_ =	sdelay $0x4  }
0x1d: {  	v4 =	vshrl.u32 v3, $0x3  }
0x1e: {  	v4 =	vmul.u32 $0x30, v4  }
0x1f: {  	v3 =	vand.u32 $0x7, v3  }
0x20: {  	v3 =	vor.u32 v3, v4  }
0x21: {  	v4 =	vperm.xlane v3, v0;
	_ =	sdelay $0x1  }
0x22: {  	v4 =	vadd.s32 v1, v4;
	_ =	sdelay $0x3  }
0x23: {  	v3 =	vperm.xlane v3, v2  }
0x24: {  	[hbm4b:s3+s2] =	stream.indirect_vreg.scatter [tilespmem:s2], [sflag:$0x1], $0x80, v4, vm0, $0xb8;
	[tilespmem:$0xC080] =	vst v63  }
0x25: {  	s8 =	simm.s32 $0x800;
	v3 =	vadd.s32 v1, v3  }
0x26: {  	[hbm4b:s4+s2] =	stream.indirect_vreg.scatter [tilespmem:s8], [sflag:$0x1], $0x80, v4, vm0, $0xb8;
	[tilespmem:$0xC080] =	vst v63  }
0x27: {  	_ = 	snop  }
0x28: {  	[hbm4b:s5+s2] =	stream.indirect_vreg.scatter [tilespmem:s9], [sflag:$0x1], $0x80, v4, vm0, $0xb8;
	[tilespmem:$0xC080] =	vst v63  }
0x29: {  	_ = 	snop  }
0x2a: {  	[hbm4b:s3+s2] =	stream.indirect_vreg.scatter [tilespmem:s10], [sflag:$0x1], $0x80, v3, vm0, $0xb8;
	[tilespmem:$0xC080] =	vst v63  }
0x2b: {  	_ = 	snop  }
0x2c: {  	[hbm4b:s4+s2] =	stream.indirect_vreg.scatter [tilespmem:s11], [sflag:$0x1], $0x80, v3, vm0, $0xb8;
	[tilespmem:$0xC080] =	vst v63  }
0x2d: {  	_ = 	snop  }
0x2e: {  	[hbm4b:s5+s2] =	stream.indirect_vreg.scatter [tilespmem:s12], [sflag:$0x1], $0x80, v3, vm0, $0xb8;
	[tilespmem:$0xC080] =	vst v63  }
0x2f: {  	v3 =	vld [tilespmem:$0xC010];
	_ =	sdelay $0x4  }
0x30: {  	v61 =	vshrl.u32 v3, $0x3  }
0x31: {  	v4 =	vmul.u32 $0x30, v61  }
0x32: {  	v3 =	vand.u32 $0x7, v3  }
0x33: {  	v3 =	vor.u32 v3, v4  }
0x34: {  	v4 =	vperm.xlane v3, v0;
	_ =	sdelay $0x1  }
0x35: {  	v4 =	vadd.s32 v1, v4;
	_ =	sdelay $0x3  }
0x36: {  	v3 =	vperm.xlane v3, v2  }
0x37: {  	[hbm4b:s3+s2] =	stream.indirect_vreg.scatter [tilespmem:s13], [sflag:$0x1], $0x80, v4, vm0, $0xb8;
	[tilespmem:$0xC080] =	vst v63  }
0x38: {  	v3 =	vadd.s32 v1, v3  }
0x39: {  	[hbm4b:s4+s2] =	stream.indirect_vreg.scatter [tilespmem:s14], [sflag:$0x1], $0x80, v4, vm0, $0xb8;
	[tilespmem:$0xC080] =	vst v63  }
0x3a: {  	_ = 	snop  }
0x3b: {  	[hbm4b:s5+s2] =	stream.indirect_vreg.scatter [tilespmem:s15], [sflag:$0x1], $0x80, v4, vm0, $0xb8;
	[tilespmem:$0xC080] =	vst v63  }
0x3c: {  	_ = 	snop  }
0x3d: {  	[hbm4b:s3+s2] =	stream.indirect_vreg.scatter [tilespmem:s16], [sflag:$0x1], $0x80, v3, vm0, $0xb8;
	[tilespmem:$0xC080] =	vst v63  }
0x3e: {  	_ = 	snop  }
0x3f: {  	[hbm4b:s4+s2] =	stream.indirect_vreg.scatter [tilespmem:s17], [sflag:$0x1], $0x80, v3, vm0, $0xb8;
	[tilespmem:$0xC080] =	vst v63  }
0x40: {  	_ = 	snop  }
0x41: {  	[hbm4b:s5+s2] =	stream.indirect_vreg.scatter [tilespmem:s18], [sflag:$0x1], $0x80, v3, vm0, $0xb8;
	[tilespmem:$0xC080] =	vst v63  }
0x42: {  	v3 =	vld [tilespmem:$0xC020];
	_ =	sdelay $0x4  }
0x43: {  	v62 =	vshrl.u32 v3, $0x3  }
0x44: {  	v4 =	vmul.u32 $0x30, v62  }
0x45: {  	v3 =	vand.u32 $0x7, v3  }
0x46: {  	v3 =	vor.u32 v3, v4  }
0x47: {  	v4 =	vperm.xlane v3, v0;
	_ =	sdelay $0x1  }
0x48: {  	v4 =	vadd.s32 v1, v4;
	_ =	sdelay $0x3  }
0x49: {  	v3 =	vperm.xlane v3, v2  }
0x4a: {  	[hbm4b:s3+s2] =	stream.indirect_vreg.scatter [tilespmem:s19], [sflag:$0x1], $0x80, v4, vm0, $0xb8;
	[tilespmem:$0xC080] =	vst v63  }
0x4b: {  	v3 =	vadd.s32 v1, v3  }
0x4c: {  	[hbm4b:s4+s2] =	stream.indirect_vreg.scatter [tilespmem:s20], [sflag:$0x1], $0x80, v4, vm0, $0xb8;
	[tilespmem:$0xC080] =	vst v63  }
0x4d: {  	_ = 	snop  }
0x4e: {  	[hbm4b:s5+s2] =	stream.indirect_vreg.scatter [tilespmem:s21], [sflag:$0x1], $0x80, v4, vm0, $0xb8;
	[tilespmem:$0xC080] =	vst v63  }
0x4f: {  	_ = 	snop  }
0x50: {  	[hbm4b:s3+s2] =	stream.indirect_vreg.scatter [tilespmem:s22], [sflag:$0x1], $0x80, v3, vm0, $0xb8;
	[tilespmem:$0xC080] =	vst v63  }
0x51: {  	_ = 	snop  }
0x52: {  	[hbm4b:s4+s2] =	stream.indirect_vreg.scatter [tilespmem:s23], [sflag:$0x1], $0x80, v3, vm0, $0xb8;
	[tilespmem:$0xC080] =	vst v63  }
0x53: {  	_ = 	snop  }
0x54: {  	[hbm4b:s5+s2] =	stream.indirect_vreg.scatter [tilespmem:s24], [sflag:$0x1], $0x80, v3, vm0, $0xb8;
	[tilespmem:$0xC080] =	vst v63  }
0x55: {  	v3 =	vld [tilespmem:$0xC030];
	_ =	sdelay $0x4  }
0x56: {  	v63 =	vshrl.u32 v3, $0x3  }
0x57: {  	v4 =	vmul.u32 $0x30, v63  }
0x58: {  	v3 =	vand.u32 $0x7, v3  }
0x59: {  	v3 =	vor.u32 v3, v4  }
0x5a: {  	v4 =	vperm.xlane v3, v0;
	_ =	sdelay $0x1  }
0x5b: {  	v4 =	vadd.s32 v1, v4;
	_ =	sdelay $0x3  }
0x5c: {  	v3 =	vperm.xlane v3, v2  }
0x5d: {  	[hbm4b:s3+s2] =	stream.indirect_vreg.scatter [tilespmem:s25], [sflag:$0x1], $0x80, v4, vm0, $0xb8;
	[tilespmem:$0xC080] =	vst v63  }
0x5e: {  	v3 =	vadd.s32 v1, v3  }
0x5f: {  	[hbm4b:s4+s2] =	stream.indirect_vreg.scatter [tilespmem:s26], [sflag:$0x1], $0x80, v4, vm0, $0xb8;
	[tilespmem:$0xC080] =	vst v63  }
0x60: {  	_ = 	snop  }
0x61: {  	[hbm4b:s5+s2] =	stream.indirect_vreg.scatter [tilespmem:s28], [sflag:$0x1], $0x80, v4, vm0, $0xb8;
	[tilespmem:$0xC080] =	vst v63  }
0x62: {  	_ = 	snop  }
0x63: {  	[hbm4b:s3+s2] =	stream.indirect_vreg.scatter [tilespmem:s29], [sflag:$0x1], $0x80, v3, vm0, $0xb8;
	[tilespmem:$0xC080] =	vst v63  }
0x64: {  	p0 =	sne.s32 s6, $0x1  }
0x65: {  	[hbm4b:s4+s2] =	stream.indirect_vreg.scatter [tilespmem:s30], [sflag:$0x1], $0x80, v3, vm0, $0xb8;
	[tilespmem:$0xC080] =	vst v63  }
.Ltmp0:
0x66: {  	_ = 	snop;
	(pc) =	sbr.rel @p0 .LBB2_1-.Ltmp0, $4  }
0x67: {  	[hbm4b:s5+s2] =	stream.indirect_vreg.scatter [tilespmem:s31], [sflag:$0x1], $0x80, v3, vm0, $0xb8;
	[tilespmem:$0xC080] =	vst v63  }
0x68: {  	_ =	swait.ge [sflag:s1], $0xC000  }
0x69: {  	[sflag:s1] =	ssyncset.done $0x0  }
0x6a: {  	s6 =	sadd.s32 $0xFFFFFFFF, s6;
	[sflag:s1] =	ssyncadd.s32 $0xFFFF4000  }
0x6b: {  	_ =	sfence.sel $0x180000  }
0x6c: {  	[bflag:$0x0] =	sbarrier.arrive $0xFFFF  }
0x6d: {  	_ =	strace $0x90000047  }
0x6e: {  	s0 =	stileid.u32;
	[bflag:$0x2] =	sbarrier.arrive $0xFFFF  }
0x6f: {  	p0 =	sne.s32 s0, $0x0;
	s0 =	rddreg [dreg:$0x3]  }
0x70: {  	s0 =	sadd.s32 @!p0 $0x100000, s0  }
0x71: {  	[sflag:s0] =	ssyncadd.tile.s32 @!p0 $0x1;
	_ =	shalt  }
.Lfunc_end2:
_tile_overlayer_lowered:
.L_overlay_start_2:
0x72: {  	(tag) =	ssettag $0x2  }
0x73: {  	s0 =	rddreg [dreg:$0x0];
	s2 =	stileid.u32  }
0x74: {  	s1 =	rddreg [dreg:$0x1];
	p0 =	sne.s32 s2, $0x0  }
0x75: {  	s3 =	rddreg [dreg:$0x2];
	[bflag:$0x3] =	sbarrier.arrive $0xFFFF;
	s2 =	simm.s32 @!p0 $0x1C02  }
0x76: {  	[timem:s3], [sflag:s2] =	dma.local @!p0 [hbm:s0], s1  }
0x77: {  	s0 =	simm.s32 @!p0 $0x2  }
0x78: {  	_ =	swait.ge @!p0 [sflag:s0], s1  }
0x79: {  	s1 =	ssub.s32 @!p0 $0x0, s1;
	[sflag:s0] =	ssyncset.done @!p0 $0x0  }
0x7a: {  	[sflag:s0] =	ssyncadd.s32 @!p0 s1  }
0x7b: {  	[bflag:$0x3] =	sbarrier.arrive $0xFFFF  }
0x7c: {  	_ =	shalt  }

// kernel: kernel.9.cloned.1.call-start
scs
__scs_entry_jumppad:
0x0: {  	(pc) =	sbr.rel $0x88, $3  }
0x1: {  	(tag) =	ssettag $0x0;
	lr =	simm.s32 $0x1  }
0x2: {  	[smem:$0x3F9D] =	sst lr;
	_ =	strace $0xD0000000  }
0x3: {  	_ = 	snop  }
0x4: {  	_ = 	snop  }
0x5: {  	_ = 	snop  }
0x6: {  	_ = 	snop  }
0x7: {  	_ = 	snop  }
__scs_overlays_trampoline_lowered:
0x8: {  	[smem:$0x3FAC] =	sst s0  }
0x9: {  	[smem:$0x3FAD] =	sst s1  }
0xa: {  	[smem:$0x3FAE] =	sst s2  }
0xb: {  	[smem:$0x3FAF] =	sst s3  }
0xc: {  	[smem:$0x3FB0] =	sst s4  }
0xd: {  	[smem:$0x3FB1] =	sst s5  }
0xe: {  	[smem:$0x3FB2] =	sst s6  }
0xf: {  	[smem:$0x3FB3] =	sst s7  }
0x10: {  	[smem:$0x3FB4] =	sst s8  }
0x11: {  	[smem:$0x3FB5] =	sst s9;
	s0 =	simm.s32 @!p0 $0x0  }
0x12: {  	s1 =	sld [smem:$0x3F9B];
	s0 =	simm.s32 @p0 $0x1  }
0x13: {  	[smem:$0x3FB6] =	sst s0;
	s0 =	simm.s32 @!p1 $0x0  }
0x14: {  	s2 =	sld [smem:$0x3F9A];
	s0 =	simm.s32 @p1 $0x1  }
0x15: {  	[smem:$0x3FB7] =	sst s0;
	s0 =	simm.s32 @!p2 $0x0  }
0x16: {  	s3 =	sld [smem:$0x3FDB];
	s0 =	simm.s32 @p2 $0x1  }
0x17: {  	s4 =	simm.s32 $0x1BF5;
	[smem:$0x3FB9] =	sst s0  }
0x18: {  	s0 =	sld [smem:$0x3F9C];
	_ =	swait.ge [sflag:s4], $0x0  }
0x19: {  	s7 =	sld [smem:$0x3F9D]  }
0x1a: {  	s8 =	sadd.s32 $0xFFFFE003, lr  }
0x1b: {  	s9 =	sadd.s32 $0xFFFFFEF7, lr;
	s5 =	simm.s32 $0xFFFFFFFF;
	p2 =	slt.u32 s8, $0xFFFFF086  }
0x1c: {  	p1 =	slt.u32 s9, $0xF7A;
	s5 =	simm.s32 @!p2 $0x0  }
0x1d: {  	s5 =	simm.s32 @p1 $0x1;
	p0 =	seq.s32 s7, s2  }
0x1e: {  	s7 =	smul.u32 @!p0 $0xF7A, s2;
	p2 =	seq.s32 @!p0 s5, $0x0  }
0x1f: {  	s9 =	smul.u32 $0xF7A, s1;
	s8 =	simm.s32 @!p0 $0x1BF5;
	p2 =	por !p2, p0  }
0x20: {  	[sflag:s8] =	ssyncset.s32 @!p0 $0xFFFFF086;
	s6 =	sadd.s32 @!p0 s3, s7;
	s7 =	simm.s32 @!p0 $0x108  }
0x21: {  	s3 =	sadd.s32 s3, s9;
	s6 =	sadd.s32 @!p0 $0x88, s6;
	s7 =	simm.s32 @p2 $0x1082  }
0x22: {  	[simem:s7], [sflag:s8] =	dma.local @!p0 [hbm:s6], $0xF7A  }
0x23: {  	s9 =	sor.u32 $0xD0000000, s2;
	s6 =	simm.s32 $0x108;
	_ =	swait.ge @!p0 [sflag:s8], $0x0  }
0x24: {  	s3 =	sadd.s32 $0x88, s3;
	s6 =	simm.s32 @!p1 $0x1082;
	[sflag:s4] =	ssyncset.s32 $0xFFFFF086  }
0x25: {  	[simem:s6], [sflag:s4] =	dma.local [hbm:s3], $0xF7A  }
0x26: {  	[smem:$0x3F9D] =	sst s1;
	(tag) =	ssettag s2;
	_ =	strace s9  }
0x27: {  	s1 =	sld [smem:$0x3FAD]  }
0x28: {  	s2 =	sld [smem:$0x3FAE]  }
0x29: {  	s4 =	sld [smem:$0x3FB0]  }
0x2a: {  	p0 =	seq.s32 s5, $0x0;
	s5 =	sld [smem:$0x3FB1]  }
0x2b: {  	s6 =	sld [smem:$0x3FB2]  }
0x2c: {  	s7 =	sld [smem:$0x3FB3]  }
0x2d: {  	s3 =	simm.s32 $0x108;
	s8 =	sld [smem:$0x3FB4]  }
0x2e: {  	s3 =	simm.s32 @!p0 $0x1082;
	s9 =	sld [smem:$0x3FB5]  }
0x2f: {  	lr =	sadd.s32 s0, s3;
	s0 =	sld [smem:$0x3FAC]  }
0x30: {  	s3 =	sld [smem:$0x3FAF]  }
0x31: {  	[smem:$0x3FB8] =	sst s10  }
0x32: {  	s10 =	sld [smem:$0x3FB6];
	_ =	sdelay $0x3  }
0x33: {  	p0 =	seq.s32 s10, $0x1;
	s10 =	sld [smem:$0x3FB8];
	_ =	sdelay $0x3  }
0x34: {  	[smem:$0x3FB8] =	sst s10  }
0x35: {  	s10 =	sld [smem:$0x3FB7];
	_ =	sdelay $0x3  }
0x36: {  	p1 =	seq.s32 s10, $0x1;
	s10 =	sld [smem:$0x3FB8];
	_ =	sdelay $0x3  }
0x37: {  	[smem:$0x3FB8] =	sst s10  }
0x38: {  	s10 =	sld [smem:$0x3FB9]  }
0x39: {  	_ = 	snop;
	(pc) =	sbr.ind lr, $3  }
0x3a: {  	_ = 	snop  }
0x3b: {  	_ = 	snop  }
0x3c: {  	p2 =	seq.s32 s10, $0x1;
	s10 =	sld [smem:$0x3FB8]  }
0x3d: {  	_ =	shalt  }
0x3e: {  	_ =	shalt  }
0x3f: {  	_ =	shalt  }
0x40: {  	_ =	shalt  }
0x41: {  	_ =	shalt  }
0x42: {  	_ =	shalt  }
0x43: {  	_ =	shalt  }
0x44: {  	_ =	shalt  }
0x45: {  	_ =	shalt  }
0x46: {  	_ =	shalt  }
0x47: {  	_ =	shalt  }
0x48: {  	_ =	shalt  }
0x49: {  	_ =	shalt  }
0x4a: {  	_ =	shalt  }
0x4b: {  	_ =	shalt  }
0x4c: {  	_ =	shalt  }
0x4d: {  	_ =	shalt  }
0x4e: {  	_ =	shalt  }
0x4f: {  	_ =	shalt  }
0x50: {  	_ =	shalt  }
0x51: {  	_ =	shalt  }
0x52: {  	_ =	shalt  }
0x53: {  	_ =	shalt  }
0x54: {  	_ =	shalt  }
0x55: {  	_ =	shalt  }
0x56: {  	_ =	shalt  }
0x57: {  	_ =	shalt  }
0x58: {  	_ =	shalt  }
0x59: {  	_ =	shalt  }
0x5a: {  	_ =	shalt  }
0x5b: {  	_ =	shalt  }
0x5c: {  	_ =	shalt  }
0x5d: {  	_ =	shalt  }
0x5e: {  	_ =	shalt  }
0x5f: {  	_ =	shalt  }
0x60: {  	_ =	shalt  }
0x61: {  	_ =	shalt  }
0x62: {  	_ =	shalt  }
0x63: {  	_ =	shalt  }
0x64: {  	_ =	shalt  }
0x65: {  	_ =	shalt  }
0x66: {  	_ =	shalt  }
0x67: {  	_ =	shalt  }
0x68: {  	_ =	shalt  }
0x69: {  	_ =	shalt  }
0x6a: {  	_ =	shalt  }
0x6b: {  	_ =	shalt  }
0x6c: {  	_ =	shalt  }
0x6d: {  	_ =	shalt  }
0x6e: {  	_ =	shalt  }
0x6f: {  	_ =	shalt  }
0x70: {  	_ =	shalt  }
0x71: {  	_ =	shalt  }
0x72: {  	_ =	shalt  }
0x73: {  	_ =	shalt  }
0x74: {  	_ =	shalt  }
0x75: {  	_ =	shalt  }
0x76: {  	_ =	shalt  }
0x77: {  	_ =	shalt  }
0x78: {  	_ =	shalt  }
0x79: {  	_ =	shalt  }
0x7a: {  	_ =	shalt  }
0x7b: {  	_ =	shalt  }
0x7c: {  	_ =	shalt  }
0x7d: {  	_ =	shalt  }
0x7e: {  	_ =	shalt  }
0x7f: {  	_ =	shalt  }
0x80: {  	_ =	shalt  }
0x81: {  	_ =	shalt  }
0x82: {  	_ =	shalt  }
0x83: {  	_ =	shalt  }
0x84: {  	_ =	shalt  }
0x85: {  	_ =	shalt  }
0x86: {  	_ =	shalt  }
0x87: {  	_ =	shalt  }
.Lfunc_end0:
.L_simem_size_0:
called_computation.1_lowered:
.L_overlay_start_0:
0x88: {  	s2 =	sld [smem:$0x3FD9]  }
0x89: {  	s3 =	sld [smem:$0x3FFE];
	_ =	sdelay $0x1  }
0x8a: {  	s1 =	srdreg.scid  }
0x8b: {  	s0 =	sand.u32 $0x1, s1  }
0x8c: {  	s14 =	sshll.u32 s0, $0xA;
	s2 =	sadd.s32 s3, s2  }
0x8d: {  	s2 =	sadd.s32 s2, s14  }
0x8e: {  	[smem:$0x3FC4] =	sst s2  }
0x8f: {  	_ = 	snop  }
0x90: {  	s2 =	sld [smem:$0x3FD0];
	_ =	sdelay $0x2  }
0x91: {  	s15 =	simm.s32 $0xA;
	s4 =	simm.s32 $0x10  }
0x92: {  	[smem:s4], [sflag:s15] =	dma.local [hbm:s2], $0x1  }
0x93: {  	_ =	swait.eq [sflag:s15], $0x1  }
0x94: {  	[sflag:s15] =	ssyncset.done $0x0  }
0x95: {  	[sflag:s15] =	ssyncadd.s32 $0xFFFFFFFF  }
0x96: {  	s16 =	sld [smem:$0x10];
	(tm) =	ssettm $0x1  }
0x97: {  	s17 =	sld [smem:$0x3FFB];
	_ =	sdelay $0x3  }
0x98: {  	_ =	strace s17  }
0x99: {  	s3 =	sld [smem:$0x3FFC];
	_ =	sdelay $0x3  }
0x9a: {  	_ =	strace s3  }
0x9b: {  	s3 =	sld [smem:$0x3FFD];
	_ =	sdelay $0x3  }
0x9c: {  	_ =	strace s3  }
0x9d: {  	_ =	strace $0x8FFFFFFF  }
0x9e: {  	s18 =	sld [smem:$0x3FDB];
	_ =	sdelay $0x1  }
0x9f: {  	s19 =	simm.s32 $_scs_section_size  }
0xa0: {  	s5 =	simm.s32 $_size__tile_overlayer_lowered;
	s6 =	simm.s32 $_tile_overlayer_lowered  }
0xa1: {  	s22 =	simm.s32 $0x1BFF;
	s21 =	sshll.u32 s6, $0x1;
	s3 =	sadd.s32 s19, s18  }
0xa2: {  	s7 =	simm.s32 $0x0;
	s20 =	sshll.u32 s5, $0x1;
	s5 =	sadd.s32 s21, s3  }
0xa3: {  	[timem:s7], [sflag:s22] =	dma.local [hbm:s5], s20  }
0xa4: {  	_ =	swait.ge [sflag:s22], s20  }
0xa5: {  	s4 =	ssub.s32 $0x0, s20;
	[sflag:s22] =	ssyncset.done $0x0  }
0xa6: {  	[sflag:s22] =	ssyncadd.s32 s4;
	_ =	sdelay $0x1  }
0xa7: {  	s23 =	simm.s32 $0x1B8B  }
0xa8: {  	_ =	swait.ge [sflag:s23], $0x1  }
0xa9: {  	[sflag:s23] =	ssyncset.done $0x0  }
0xaa: {  	s25 =	simm.s32 $0x1B8E;
	s24 =	sld [smem:$0x3FFE];
	[sflag:s23] =	ssyncadd.s32 $0xFFFFFFFF  }
0xab: {  	s26 =	simm.s32 $execute0_lowered;
	[smem:$0x3FD2] =	sst s25  }
0xac: {  	s5 =	sshll.u32 s26, $0x1;
	_ =	strace $0x80000049;
	[dreg:$0x1] =	wrdreg $0xFFFFFFFF  }
0xad: {  	s28 =	simm.s32 $_size_execute0_lowered;
	s3 =	sadd.s32 s3, s5;
	[dreg:$0x0] =	wrdreg $0x0  }
0xae: {  	s5 =	sshll.u32 s28, $0x1;
	[dreg:$0x2] =	wrdreg s3  }
0xaf: {  	[dreg:$0x3] =	wrdreg s5  }
0xb0: {  	[dreg:$0x4] =	wrdreg $0xC0  }
0xb1: {  	_ =	task [dreg:s7], $0x5FFFF  }
0xb2: {  	[dreg:$0x1] =	wrdreg $0xFFFFFFFF  }
0xb3: {  	[dreg:$0x0] =	wrdreg $0x60  }
0xb4: {  	[dreg:$0x2] =	wrdreg s24  }
0xb5: {  	[dreg:$0x3] =	wrdreg s16  }
0xb6: {  	[dreg:$0x4] =	wrdreg $0x9  }
0xb7: {  	_ =	task.clear_ibuf [dreg:s7], $0x5FFFF;
	_ =	strace $0x90000049  }
0xb8: {  	s29 =	simm.s32 $0x9;
	_ =	strace $0x8000004B  }
0xb9: {  	_ =	swait.ge [sflag:s29], $0x1  }
0xba: {  	[sflag:s29] =	ssyncadd.s32 $0xFFFFFFFF  }
0xbb: {  	_ =	strace $0x9000004B  }
0xbc: {  	_ =	sfence  }
0xbd: {  	s30 =	sld [smem:$0x0];
	_ =	sdelay $0x2  }
0xbe: {  	s31 =	sshll.u32 s1, $0xD;
	s1 =	sshrl.u32 s1, $0x2  }
0xbf: {  	s3 =	sand.u32 $0x4000, s31;
	s1 =	sadd.s32 s1, s30  }
0xc0: {  	s0 =	sor.u32 s3, s0;
	s1 =	sshll.u32 s1, $0x11  }
0xc1: {  	s0 =	sor.u32 s1, s0  }
0xc2: {  	s0 =	sadd.s32 $0x8F2B, s0  }
0xc3: {  	[sflag:s0] =	ssyncadd.remote.s32 $0x1  }
0xc4: {  	_ =	sfence.sel $0xFFFF  }
0xc5: {  	[dreg:$0x0] =	wrdreg $0xFFFFFFFF;
	(pc) =	sbr.abs _section_cstart, $3  }
0xc6: {  	[dreg:$0x1] =	wrdreg $0xFFFFFFFF  }
0xc7: {  	_ =	task.clear_ibuf [dreg:s7], $0x2FFFF;
	_ =	strace $0x9FFFFFFF  }
0xc8: {  	(tm) =	ssettm $0x7FFFFFFF  }
0xc9: {  	_ =	shalt  }
tec
execute0_lowered:
.L_overlay_start_1:
0x0: {  	(tag) =	ssettag $0x1  }
0x1: {  	s0 =	rddreg [dreg:$0x0]  }
0x2: {  	s5 =	rddreg [dreg:$0x1]  }
0x3: {  	s3 =	srdreg.scid;
	s2 =	simm.s32 $0x0;
	s1 =	stileid.u32  }
0x4: {  	s26 =	simm.s32 $0xC000;
	s10 =	simm.s32 $0x1800;
	s11 =	simm.s32 $0x2000  }
0x5: {  	s12 =	simm.s32 $0x2800;
	s13 =	simm.s32 $0x3000;
	s14 =	simm.s32 $0x3800  }
0x6: {  	s15 =	simm.s32 $0x4000;
	s16 =	simm.s32 $0x4800;
	s17 =	simm.s32 $0x5000  }
0x7: {  	s18 =	simm.s32 $0x5800;
	s19 =	simm.s32 $0x6000;
	s20 =	simm.s32 $0x6800  }
0x8: {  	s21 =	simm.s32 $0x7000;
	s22 =	simm.s32 $0x7800;
	s28 =	simm.s32 $0xA000  }
0x9: {  	s29 =	simm.s32 $0xA800;
	s30 =	simm.s32 $0xB000;
	s31 =	simm.s32 $0xB800  }
0xa: {  	s3 =	sand.u32 $0x1, s3;
	[smem:$0x7FF] =	sst s2;
	s4 =	sshll.u32 s1, $0x4  }
0xb: {  	s6 =	sshll.u32 s3, $0x3;
	_ =	strace $0x8000004A;
	s23 =	ssub.s32 $0x2, s3  }
0xc: {  	s3 =	sadd.s32 $0x9E00, s0;
	[dreg:$0x5] =	wrdreg s26;
	s4 =	sor.u32 s6, s4  }
0xd: {  	s26 =	simm.s32 $0x9800;
	s8 =	sshrl.u32 s23, $0x1;
	s7 =	sadd.s32 s4, s0  }
0xe: {  	s9 =	smul.u32 $0x300, s4;
	s6 =	ssub.s32 s23, s8;
	s4 =	sadd.s32 $0x9F00, s0  }
0xf: {  	s23 =	simm.s32 $0x8000;
	s24 =	sadd.s32 $0x9C00, s7;
	s6 =	smax.u32 s6, $0x1  }
0x10: {  	v2 =	vlaneseq.u32;
	s7 =	simm.s32 $0x2;
	[dreg:$0x3] =	wrdreg s24;
	s25 =	sadd.s32 s5, s9  }
0x11: {  	vm0 =	vmmov $0xffff;
	v1 =	vshrl.u32 v2, $0x3;
	s5 =	sadd.s32 $0xA000, s0;
	s9 =	simm.s32 $0x1000;
	s24 =	simm.s32 $0x8800  }
0x12: {  	v0 =	vand.u32 $0x7, v2;
	v2 =	vor.u32 $0x8, v2;
	v1 =	vmul.u32 $0x8, v1;
	s0 =	simm.s32 $0x1;
	[dreg:$0x4] =	wrdreg s25;
	s25 =	simm.s32 $0x9000  }
.LBB2_1:
0x13: {  	s1 =	rddreg [dreg:$0x3]  }
0x14: {  	s8 =	rddreg [dreg:$0x5]  }
0x15: {  	[tilespmem:s8], [sflag:$0x2] =	stream.linear.gather [hbm4b:s1+s2], $0x40, $0x38;
	[tilespmem:$0xC080] =	vst v63  }
0x16: {  	_ =	swait.ge [sflag:s7], $0x40  }
0x17: {  	[sflag:s7] =	ssyncset.done $0x0  }
0x18: {  	[sflag:s7] =	ssyncadd.s32 $0xFFFFFFC0  }
0x19: {  	v3 =	vld [tilespmem:$0xC000];
	_ =	sdelay $0x4  }
0x1a: {  	v4 =	vshrl.u32 v3, $0x3  }
0x1b: {  	v4 =	vmul.u32 $0x30, v4  }
0x1c: {  	v3 =	vand.u32 $0x7, v3  }
0x1d: {  	v3 =	vor.u32 v3, v4  }
0x1e: {  	v4 =	vperm.xlane v3, v0;
	_ =	sdelay $0x1  }
0x1f: {  	v4 =	vadd.s32 v1, v4;
	_ =	sdelay $0x3  }
0x20: {  	v3 =	vperm.xlane v3, v2  }
0x21: {  	[tilespmem:s2], [sflag:$0x1] =	stream.indirect_vreg.gather [hbm4b:s3+s2], $0x80, v4, vm0, $0xb8;
	[tilespmem:$0xC080] =	vst v63  }
0x22: {  	s8 =	simm.s32 $0x800;
	v3 =	vadd.s32 v1, v3  }
0x23: {  	[tilespmem:s8], [sflag:$0x1] =	stream.indirect_vreg.gather [hbm4b:s4+s2], $0x80, v4, vm0, $0xb8;
	[tilespmem:$0xC080] =	vst v63  }
0x24: {  	_ = 	snop  }
0x25: {  	[tilespmem:s9], [sflag:$0x1] =	stream.indirect_vreg.gather [hbm4b:s5+s2], $0x80, v4, vm0, $0xb8;
	[tilespmem:$0xC080] =	vst v63  }
0x26: {  	_ = 	snop  }
0x27: {  	[tilespmem:s10], [sflag:$0x1] =	stream.indirect_vreg.gather [hbm4b:s3+s2], $0x80, v3, vm0, $0xb8;
	[tilespmem:$0xC080] =	vst v63  }
0x28: {  	_ = 	snop  }
0x29: {  	[tilespmem:s11], [sflag:$0x1] =	stream.indirect_vreg.gather [hbm4b:s4+s2], $0x80, v3, vm0, $0xb8;
	[tilespmem:$0xC080] =	vst v63  }
0x2a: {  	_ = 	snop  }
0x2b: {  	[tilespmem:s12], [sflag:$0x1] =	stream.indirect_vreg.gather [hbm4b:s5+s2], $0x80, v3, vm0, $0xb8;
	[tilespmem:$0xC080] =	vst v63  }
0x2c: {  	v3 =	vld [tilespmem:$0xC010];
	_ =	sdelay $0x4  }
0x2d: {  	v61 =	vshrl.u32 v3, $0x3  }
0x2e: {  	v4 =	vmul.u32 $0x30, v61  }
0x2f: {  	v3 =	vand.u32 $0x7, v3  }
0x30: {  	v3 =	vor.u32 v3, v4  }
0x31: {  	v4 =	vperm.xlane v3, v0;
	_ =	sdelay $0x1  }
0x32: {  	v4 =	vadd.s32 v1, v4;
	_ =	sdelay $0x3  }
0x33: {  	v3 =	vperm.xlane v3, v2  }
0x34: {  	[tilespmem:s13], [sflag:$0x1] =	stream.indirect_vreg.gather [hbm4b:s3+s2], $0x80, v4, vm0, $0xb8;
	[tilespmem:$0xC080] =	vst v63  }
0x35: {  	v3 =	vadd.s32 v1, v3  }
0x36: {  	[tilespmem:s14], [sflag:$0x1] =	stream.indirect_vreg.gather [hbm4b:s4+s2], $0x80, v4, vm0, $0xb8;
	[tilespmem:$0xC080] =	vst v63  }
0x37: {  	_ = 	snop  }
0x38: {  	[tilespmem:s15], [sflag:$0x1] =	stream.indirect_vreg.gather [hbm4b:s5+s2], $0x80, v4, vm0, $0xb8;
	[tilespmem:$0xC080] =	vst v63  }
0x39: {  	_ = 	snop  }
0x3a: {  	[tilespmem:s16], [sflag:$0x1] =	stream.indirect_vreg.gather [hbm4b:s3+s2], $0x80, v3, vm0, $0xb8;
	[tilespmem:$0xC080] =	vst v63  }
0x3b: {  	_ = 	snop  }
0x3c: {  	[tilespmem:s17], [sflag:$0x1] =	stream.indirect_vreg.gather [hbm4b:s4+s2], $0x80, v3, vm0, $0xb8;
	[tilespmem:$0xC080] =	vst v63  }
0x3d: {  	_ = 	snop  }
0x3e: {  	[tilespmem:s18], [sflag:$0x1] =	stream.indirect_vreg.gather [hbm4b:s5+s2], $0x80, v3, vm0, $0xb8;
	[tilespmem:$0xC080] =	vst v63  }
0x3f: {  	v3 =	vld [tilespmem:$0xC020];
	_ =	sdelay $0x4  }
0x40: {  	v62 =	vshrl.u32 v3, $0x3  }
0x41: {  	v4 =	vmul.u32 $0x30, v62  }
0x42: {  	v3 =	vand.u32 $0x7, v3  }
0x43: {  	v3 =	vor.u32 v3, v4  }
0x44: {  	v4 =	vperm.xlane v3, v0;
	_ =	sdelay $0x1  }
0x45: {  	v4 =	vadd.s32 v1, v4;
	_ =	sdelay $0x3  }
0x46: {  	v3 =	vperm.xlane v3, v2  }
0x47: {  	[tilespmem:s19], [sflag:$0x1] =	stream.indirect_vreg.gather [hbm4b:s3+s2], $0x80, v4, vm0, $0xb8;
	[tilespmem:$0xC080] =	vst v63  }
0x48: {  	v3 =	vadd.s32 v1, v3  }
0x49: {  	[tilespmem:s20], [sflag:$0x1] =	stream.indirect_vreg.gather [hbm4b:s4+s2], $0x80, v4, vm0, $0xb8;
	[tilespmem:$0xC080] =	vst v63  }
0x4a: {  	_ = 	snop  }
0x4b: {  	[tilespmem:s21], [sflag:$0x1] =	stream.indirect_vreg.gather [hbm4b:s5+s2], $0x80, v4, vm0, $0xb8;
	[tilespmem:$0xC080] =	vst v63  }
0x4c: {  	_ = 	snop  }
0x4d: {  	[tilespmem:s22], [sflag:$0x1] =	stream.indirect_vreg.gather [hbm4b:s3+s2], $0x80, v3, vm0, $0xb8;
	[tilespmem:$0xC080] =	vst v63  }
0x4e: {  	_ = 	snop  }
0x4f: {  	[tilespmem:s23], [sflag:$0x1] =	stream.indirect_vreg.gather [hbm4b:s4+s2], $0x80, v3, vm0, $0xb8;
	[tilespmem:$0xC080] =	vst v63  }
0x50: {  	_ = 	snop  }
0x51: {  	[tilespmem:s24], [sflag:$0x1] =	stream.indirect_vreg.gather [hbm4b:s5+s2], $0x80, v3, vm0, $0xb8;
	[tilespmem:$0xC080] =	vst v63  }
0x52: {  	v3 =	vld [tilespmem:$0xC030];
	_ =	sdelay $0x4  }
0x53: {  	v63 =	vshrl.u32 v3, $0x3  }
0x54: {  	v4 =	vmul.u32 $0x30, v63  }
0x55: {  	v3 =	vand.u32 $0x7, v3  }
0x56: {  	v3 =	vor.u32 v3, v4  }
0x57: {  	v4 =	vperm.xlane v3, v0;
	_ =	sdelay $0x1  }
0x58: {  	v4 =	vadd.s32 v1, v4;
	_ =	sdelay $0x3  }
0x59: {  	v3 =	vperm.xlane v3, v2  }
0x5a: {  	[tilespmem:s25], [sflag:$0x1] =	stream.indirect_vreg.gather [hbm4b:s3+s2], $0x80, v4, vm0, $0xb8;
	[tilespmem:$0xC080] =	vst v63  }
0x5b: {  	v3 =	vadd.s32 v1, v3  }
0x5c: {  	[tilespmem:s26], [sflag:$0x1] =	stream.indirect_vreg.gather [hbm4b:s4+s2], $0x80, v4, vm0, $0xb8;
	[tilespmem:$0xC080] =	vst v63  }
0x5d: {  	_ = 	snop  }
0x5e: {  	[tilespmem:s28], [sflag:$0x1] =	stream.indirect_vreg.gather [hbm4b:s5+s2], $0x80, v4, vm0, $0xb8;
	[tilespmem:$0xC080] =	vst v63  }
0x5f: {  	_ = 	snop  }
0x60: {  	[tilespmem:s29], [sflag:$0x1] =	stream.indirect_vreg.gather [hbm4b:s3+s2], $0x80, v3, vm0, $0xb8;
	[tilespmem:$0xC080] =	vst v63  }
0x61: {  	_ = 	snop  }
0x62: {  	[tilespmem:s30], [sflag:$0x1] =	stream.indirect_vreg.gather [hbm4b:s4+s2], $0x80, v3, vm0, $0xb8;
	[tilespmem:$0xC080] =	vst v63  }
0x63: {  	_ = 	snop  }
0x64: {  	[tilespmem:s31], [sflag:$0x1] =	stream.indirect_vreg.gather [hbm4b:s5+s2], $0x80, v3, vm0, $0xb8;
	[tilespmem:$0xC080] =	vst v63  }
0x65: {  	_ =	swait.ge [sflag:s0], $0xC000  }
0x66: {  	p0 =	sne.s32 s6, $0x1;
	[sflag:s0] =	ssyncset.done $0x0  }
.Ltmp0:
0x67: {  	s8 =	rddreg [dreg:$0x4];
	[sflag:s0] =	ssyncadd.s32 $0xFFFF4000;
	(pc) =	sbr.rel @p0 .LBB2_1-.Ltmp0, $4  }
0x68: {  	[hbm4b:s8+s2] =	stream.linear.scatter [tilespmem:s2], [sflag:$0x2], $0xC000, $0x38;
	[tilespmem:$0xC080] =	vst v63  }
0x69: {  	_ =	swait.ge [sflag:s7], $0xC000  }
0x6a: {  	[sflag:s7] =	ssyncset.done $0x0  }
0x6b: {  	s6 =	sadd.s32 $0xFFFFFFFF, s6;
	[sflag:s7] =	ssyncadd.s32 $0xFFFF4000  }
0x6c: {  	_ =	sfence.sel $0x180000  }
0x6d: {  	[bflag:$0x0] =	sbarrier.arrive $0xFFFF  }
0x6e: {  	_ =	strace $0x9000004A  }
0x6f: {  	s0 =	stileid.u32;
	[bflag:$0x2] =	sbarrier.arrive $0xFFFF  }
0x70: {  	p0 =	sne.s32 s0, $0x0;
	s0 =	rddreg [dreg:$0x2]  }
0x71: {  	s0 =	sadd.s32 @!p0 $0x100000, s0  }
0x72: {  	[sflag:s0] =	ssyncadd.tile.s32 @!p0 $0x1;
	_ =	shalt  }
.Lfunc_end2:
_tile_overlayer_lowered:
.L_overlay_start_2:
0x73: {  	(tag) =	ssettag $0x2  }
0x74: {  	s0 =	rddreg [dreg:$0x0];
	s2 =	stileid.u32  }
0x75: {  	s1 =	rddreg [dreg:$0x1];
	p0 =	sne.s32 s2, $0x0  }
0x76: {  	s3 =	rddreg [dreg:$0x2];
	[bflag:$0x3] =	sbarrier.arrive $0xFFFF;
	s2 =	simm.s32 @!p0 $0x1C02  }
0x77: {  	[timem:s3], [sflag:s2] =	dma.local @!p0 [hbm:s0], s1  }
0x78: {  	s0 =	simm.s32 @!p0 $0x2  }
0x79: {  	_ =	swait.ge @!p0 [sflag:s0], s1  }
0x7a: {  	s1 =	ssub.s32 @!p0 $0x0, s1;
	[sflag:s0] =	ssyncset.done @!p0 $0x0  }
0x7b: {  	[sflag:s0] =	ssyncadd.s32 @!p0 s1  }
0x7c: {  	[bflag:$0x3] =	sbarrier.arrive $0xFFFF  }
0x7d: {  	_ =	shalt  }

</sc_bundles>
